<compile_context>
chip_gen: v7x
topology: tpu7x:2x2x1
jax: 0.10.2.dev20260603
libtpu: 0.0.44.dev20260713+nightly
codegen_flags: <defaults>
</compile_context>

<pallas_src>
import functools

import jax
import jax.numpy as jnp
from jax import lax
from jax.experimental import pallas as pl
from jax.experimental.pallas import tpu as pltpu
from jax.experimental.pallas import tpu_sc as plsc

_N = 10000
_E = 320000
_D_IN = 128

_NP = 10240
_ACC_RPT = _NP // 16
_TBL_RPT = _N // 16
_NW = 32
_CH = 128
_ECHUNKS = _E // (10 * _CH * 25)
_NCHUNK = 80
_EROWS = 2560
_BLK = 2000
_GRID = _N // _BLK


def _sc_scatter_fn(width):
    mesh = plsc.VectorSubcoreMesh(
        core_axis_name="c", subcore_axis_name="s", num_cores=2, num_subcores=16
    )

    @functools.partial(
        pl.kernel,
        out_type=jax.ShapeDtypeStruct((_NP, 128), jnp.float32),
        mesh=mesh,
        scratch_types=[
            pltpu.VMEM((_NCHUNK, _CH), jnp.int32),
            pltpu.VMEM((_NCHUNK, _CH), jnp.int32),
            pltpu.VMEM((2, _CH, width), jnp.float32),
            pltpu.VMEM_SHARED((_NP, width), jnp.float32),
            pltpu.VMEM_SHARED((_N, width), jnp.float32),
            pltpu.SemaphoreType.DMA,
            pltpu.SemaphoreType.DMA,
            pltpu.SemaphoreType.DMA,
        ],
        compiler_params=pltpu.CompilerParams(use_tc_tiling_on_sc=False),
    )
    def sc_kernel(g_hbm, edges_hbm, zeros_hbm, out_hbm,
                  src_v, dst_v, rows_v, acc_sh, tbl_sh, *sems):
        cid = lax.axis_index("c")
        sid = lax.axis_index("s")
        wid = sid * 2 + cid
        arow0 = sid * _ACC_RPT
        trow0 = sid * _TBL_RPT
        pltpu.async_copy(zeros_hbm, acc_sh.at[pl.ds(arow0, _ACC_RPT)], sems[2])
        pltpu.async_copy(g_hbm.at[pl.ds(trow0, _TBL_RPT), pl.ds(0, width)],
                         tbl_sh.at[pl.ds(trow0, _TBL_RPT)], sems[2])
        pltpu.async_copy(edges_hbm.at[0, pl.ds(wid * _NCHUNK, _NCHUNK)],
                         src_v, sems[0])
        d_dst = pltpu.async_copy(edges_hbm.at[1, pl.ds(wid * _NCHUNK, _NCHUNK)],
                                 dst_v, sems[1])
        pltpu.make_async_copy(zeros_hbm, acc_sh.at[pl.ds(arow0, _ACC_RPT)],
                              sems[2]).wait()
        pltpu.make_async_copy(g_hbm.at[pl.ds(trow0, _TBL_RPT), pl.ds(0, width)],
                              tbl_sh.at[pl.ds(trow0, _TBL_RPT)], sems[2]).wait()
        pltpu.make_async_copy(edges_hbm.at[0, pl.ds(wid * _NCHUNK, _NCHUNK)],
                              src_v, sems[0]).wait()
        d_dst.wait()
        plsc.subcore_barrier()

        def step(j, p, fire_next):
            pltpu.make_async_copy(tbl_sh.at[src_v.at[j]], rows_v.at[p],
                                  sems[p]).wait()
            if fire_next:
                q = 1 - p
                pltpu.async_copy(tbl_sh.at[src_v.at[j + 1]], rows_v.at[q],
                                 sems[q])
            pltpu.sync_copy(rows_v.at[p], acc_sh.at[dst_v.at[j]], add=True)

        pltpu.async_copy(tbl_sh.at[src_v.at[0]], rows_v.at[0], sems[0])

        def body(i, carry):
            step(i * 2, 0, True)
            step(i * 2 + 1, 1, True)
            return carry

        lax.fori_loop(0, _NCHUNK // 2 - 1, body, 0)
        step(_NCHUNK - 2, 0, True)
        step(_NCHUNK - 1, 1, False)
        plsc.subcore_barrier()
        pltpu.sync_copy(acc_sh.at[pl.ds(arow0, _ACC_RPT)],
                        out_hbm.at[pl.ds(arow0, _ACC_RPT),
                                   pl.ds(cid * 64, width)])

    return sc_kernel


def _tc1_body(x_ref, e_ref, wc_ref, cc_ref, g1_ref, eo_ref):
    xb = x_ref[...]
    g1_ref[...] = jnp.dot(xb, wc_ref[...], preferred_element_type=jnp.float32) + cc_ref[...]
    e = e_ref[...]
    er = e.reshape(2, 500, 128)
    eo_ref[:, : 500, :] = er
    eo_ref[0, 500:, :] = jnp.zeros((12, 128), jnp.int32)
    eo_ref[1, 500:, :] = jnp.full((12, 128), _N, jnp.int32)


def _tc2_body(acc_ref, g1x_ref, wl_ref, wr_ref, b2_ref, g2_ref, hro_ref):
    acc = acc_ref[...]
    s = acc[:, :48] + acc[:, 64:112]
    col = lax.broadcasted_iota(jnp.int32, s.shape, 1)
    cnt = jnp.sum(jnp.where(col == 40, s, 0.0), axis=1, keepdims=True)
    ic = 1.0 / jnp.maximum(cnt, 1.0)
    xr1 = g1x_ref[...][:, 48:96]
    h = jnp.maximum(s * ic + xr1, 0.0)
    g2_ref[...] = jnp.dot(h, wl_ref[...], preferred_element_type=jnp.float32)
    hro = jnp.dot(h, wr_ref[...], preferred_element_type=jnp.float32) + b2_ref[...]
    col2 = lax.broadcasted_iota(jnp.int32, hro.shape, 1)
    hro_ref[...] = jnp.where(col2 == 24, ic, hro)


def _tc3_body(acc_ref, hro_ref, out_ref):
    acc = acc_ref[...]
    hro = hro_ref[...]
    hr2 = hro[:, :24]
    ic = hro[:, 24:25]
    z = (acc[:, :24] + acc[:, 64:88]) * ic + hr2
    m = jnp.max(z, axis=1, keepdims=True)
    e = jnp.exp(z - m)
    lse = jnp.log(jnp.sum(e, axis=1, keepdims=True))
    out_ref[...] = z - m - lse


def _row_blocked(width):
    return pl.BlockSpec((_BLK, width), lambda i: (i, 0))


def _acc_blocked():
    return pl.BlockSpec((_BLK, 128), lambda i: (i, 0))


def _full(shape):
    return pl.BlockSpec(shape, lambda i: tuple(0 for _ in shape))


def kernel(x, edge_index, W1_l, b1, W1_r, W2_l, b2, W2_r):
    f32 = jnp.float32
    ei = edge_index.astype(jnp.int32)
    w1c = (jnp.zeros((_D_IN, 128), f32)
           .at[:, 0:40].set(W1_l.astype(f32))
           .at[:, 48:88].set(W1_r.astype(f32)))
    c1c = (jnp.zeros((1, 128), f32)
           .at[0, 40].set(1.0)
           .at[0, 48:88].set(b1.astype(f32)))
    w2l = jnp.zeros((48, 128), f32).at[0:40, 0:24].set(W2_l.astype(f32))
    w2r = jnp.zeros((48, 32), f32).at[0:40, 0:24].set(W2_r.astype(f32))
    b2p = jnp.zeros((1, 32), f32).at[0, 0:24].set(b2.astype(f32))
    z48 = jnp.zeros((_ACC_RPT, 48), f32)
    z32 = jnp.zeros((_ACC_RPT, 32), f32)

    g1x, edges = pl.pallas_call(
        _tc1_body,
        grid=(_GRID,),
        in_specs=[_row_blocked(_D_IN),
                  pl.BlockSpec((2, _E // _GRID), lambda i: (0, i)),
                  _full((_D_IN, 128)), _full((1, 128))],
        out_specs=[_row_blocked(128),
                   pl.BlockSpec((2, _EROWS // _GRID, _CH), lambda i: (0, i, 0))],
        out_shape=[jax.ShapeDtypeStruct((_N, 128), f32),
                   jax.ShapeDtypeStruct((2, _EROWS, _CH), jnp.int32)],
    )(x.astype(f32), ei, w1c, c1c)

    acc1 = _sc_scatter_fn(48)(g1x, edges, z48)

    g2, hro = pl.pallas_call(
        _tc2_body,
        grid=(_GRID,),
        in_specs=[_acc_blocked(), _row_blocked(128),
                  _full((48, 128)), _full((48, 32)), _full((1, 32))],
        out_specs=[_row_blocked(128), _row_blocked(32)],
        out_shape=[jax.ShapeDtypeStruct((_N, 128), f32),
                   jax.ShapeDtypeStruct((_N, 32), f32)],
    )(acc1, g1x, w2l, w2r, b2p)

    acc2 = _sc_scatter_fn(32)(g2, edges, z32)

    out = pl.pallas_call(
        _tc3_body,
        grid=(_GRID,),
        in_specs=[_acc_blocked(), _row_blocked(32)],
        out_specs=_row_blocked(24),
        out_shape=jax.ShapeDtypeStruct((_N, 24), f32),
    )(acc2, hro)

    return out

# --- scband reference (transcript-rebuilt; emitter-appended) ---
"""Pipeline reference for scband-gsgnet-25606595019233 (READ-ONLY COPY).

The authoritative reference and input builder live on the scoring server;
editing this copy changes nothing except your own understanding.
"""

import jax, jax.numpy as jnp
import numpy as np

N = 10000
E = 320000
D_IN = 128
D_HID = 40
D_OUT = 24


def setup_inputs(seed: int = 0) -> dict:
    key = jax.random.key(seed)
    ks = jax.random.split(key, 10)
    x = jax.random.normal(ks[0], (N, D_IN), dtype=jnp.float32)
    edge_index = jax.random.randint(ks[1], (2, E), 0, N)
    s1 = 1.0 / np.sqrt(D_IN)
    s2 = 1.0 / np.sqrt(D_HID)
    W1_l = jax.random.uniform(ks[2], (D_IN, D_HID), jnp.float32, -s1, s1)
    b1 = jax.random.uniform(ks[3], (D_HID,), jnp.float32, -s1, s1)
    W1_r = jax.random.uniform(ks[4], (D_IN, D_HID), jnp.float32, -s1, s1)
    W2_l = jax.random.uniform(ks[5], (D_HID, D_OUT), jnp.float32, -s2, s2)
    b2 = jax.random.uniform(ks[6], (D_OUT,), jnp.float32, -s2, s2)
    W2_r = jax.random.uniform(ks[7], (D_HID, D_OUT), jnp.float32, -s2, s2)
    return {"x": x, "edge_index": edge_index, "W1_l": W1_l, "b1": b1,
            "W1_r": W1_r, "W2_l": W2_l, "b2": b2, "W2_r": W2_r}


def _sage_conv(x, src, dst, W_l, b, W_r, num_nodes):
    # PyG SAGEConv with mean aggregation: lin_l(mean_{j in N(i)} x_j) + lin_r(x_i)
    msg = jnp.take(x, src, axis=0)
    agg_sum = jax.ops.segment_sum(msg, dst, num_segments=num_nodes)
    cnt = jax.ops.segment_sum(jnp.ones((src.shape[0],), jnp.float32), dst,
                              num_segments=num_nodes)
    agg = agg_sum / jnp.clip(cnt, 1.0, None)[:, None]
    return agg @ W_l + b + x @ W_r


def reference(x, edge_index, W1_l, b1, W1_r, W2_l, b2, W2_r):
    src = edge_index[0]
    dst = edge_index[1]
    h = _sage_conv(x, src, dst, W1_l, b1, W1_r, N)
    h = jax.nn.relu(h)
    # dropout(p=0.5) active only in training mode; reference is eval -> identity
    out = _sage_conv(h, src, dst, W2_l, b2, W2_r, N)
    return jax.nn.log_softmax(out, axis=1)

if __name__ == "__main__":
    import jax
    _d = setup_inputs()
    print(jax.jit(kernel)(*tuple(_d.values())))

</pallas_src>

<mosaic_0001>
#map = affine_map<(d0, d1) -> (0, 0)>
#map1 = affine_map<(d0, d1) -> (0, 0, 0)>
module attributes {stable_mosaic.version = 14 : i64} {
  func.func @sc_kernel(%arg0: i32, %arg1: i32, %arg2: memref<10000x128xf32, #tpu.memory_space<hbm>>, %arg3: memref<2x2560x128xi32, #tpu.memory_space<hbm>>, %arg4: memref<640x32xf32, #tpu.memory_space<hbm>>, %arg5: memref<10240x128xf32, #tpu.memory_space<hbm>>, %arg6: memref<80x128xi32, #tpu.memory_space<vmem>>, %arg7: memref<80x128xi32, #tpu.memory_space<vmem>>, %arg8: memref<2x128x32xf32, #tpu.memory_space<vmem>>, %arg9: memref<10240x32xf32, #tpu.memory_space<vmem_shared>>, %arg10: memref<10000x32xf32, #tpu.memory_space<vmem_shared>>, %arg11: memref<!tpu.dma_semaphore, #tpu.memory_space<semaphore_mem>>, %arg12: memref<!tpu.dma_semaphore, #tpu.memory_space<semaphore_mem>>, %arg13: memref<!tpu.dma_semaphore, #tpu.memory_space<semaphore_mem>>) attributes {dimension_semantics = [#tpu.dimension_semantics<core_parallel>, #tpu.dimension_semantics<subcore_parallel>], iteration_bounds = array<i64: 2, 16>, scalar_prefetch = 0 : i64, scratch_operands = 8 : i64, tpu.core_type = #tpu.core_type<sc_vector_subcore>, window_params = [{transform_indices = #map}, {transform_indices = #map1}, {transform_indices = #map}, {transform_indices = #map}]} {
    %mul3A = arith.constant 2 : i32
    %mul3A_0 = arith.muli %arg1, %mul3A : i32
    %add3A = arith.addi %mul3A_0, %arg0 : i32
    %mul3A_1 = arith.constant 640 : i32
    %mul3A_2 = arith.muli %arg1, %mul3A_1 : i32
    %mul3A_3 = arith.constant 625 : i32
    %mul3A_4 = arith.muli %arg1, %mul3A_3 : i32
    %dma_start3A = arith.constant 0 : i32
    %dma_start3A_5 = tpu.memref_slice %arg9[%mul3A_2, %dma_start3A] : memref<10240x32xf32, #tpu.memory_space<vmem_shared>> -> memref<640x32xf32, #tpu.memory_space<vmem_shared>>
    tpu.enqueue_dma source(%arg4 : memref<640x32xf32, #tpu.memory_space<hbm>>) target(%dma_start3A_5 : memref<640x32xf32, #tpu.memory_space<vmem_shared>>) target_semaphore(%arg13 : memref<!tpu.dma_semaphore, #tpu.memory_space<semaphore_mem>>)
    %dma_start3A_6 = arith.constant 0 : i32
    %dma_start3A_7 = tpu.memref_slice %arg10[%mul3A_4, %dma_start3A_6] : memref<10000x32xf32, #tpu.memory_space<vmem_shared>> -> memref<625x32xf32, #tpu.memory_space<vmem_shared>>
    %dma_start3A_8 = arith.constant 0 : i32
    %dma_start3A_9 = tpu.memref_slice %arg2[%mul3A_4, %dma_start3A_8] : memref<10000x128xf32, #tpu.memory_space<hbm>> -> memref<625x32xf32, #tpu.memory_space<hbm>>
    tpu.enqueue_dma source(%dma_start3A_9 : memref<625x32xf32, #tpu.memory_space<hbm>>) target(%dma_start3A_7 : memref<625x32xf32, #tpu.memory_space<vmem_shared>>) target_semaphore(%arg13 : memref<!tpu.dma_semaphore, #tpu.memory_space<semaphore_mem>>)
    %mul3A_10 = arith.constant 80 : i32
    %mul3A_11 = arith.muli %add3A, %mul3A_10 : i32
    %dma_start3A_12 = arith.constant 0 : i32
    %dma_start3A_13 = arith.constant 0 : i32
    %dma_start3A_14 = tpu.memref_slice %arg3[%dma_start3A_12, %mul3A_11, %dma_start3A_13] : memref<2x2560x128xi32, #tpu.memory_space<hbm>> -> memref<1x80x128xi32, #tpu.memory_space<hbm>>
    %dma_start3A_15 = tpu.memref_squeeze %dma_start3A_14 : memref<1x80x128xi32, #tpu.memory_space<hbm>> -> memref<80x128xi32, #tpu.memory_space<hbm>>
    %dma_start3A_16 = arith.constant 0 : i32
    %dma_start3A_17 = tpu.memref_slice %arg3[%dma_start3A_12, %mul3A_11, %dma_start3A_16] : memref<2x2560x128xi32, #tpu.memory_space<hbm>> -> memref<1x80x128xi32, #tpu.memory_space<hbm>>
    %dma_start3A_18 = tpu.memref_squeeze %dma_start3A_17 : memref<1x80x128xi32, #tpu.memory_space<hbm>> -> memref<80x128xi32, #tpu.memory_space<hbm>>
    tpu.enqueue_dma source(%dma_start3A_18 : memref<80x128xi32, #tpu.memory_space<hbm>>) target(%arg6 : memref<80x128xi32, #tpu.memory_space<vmem>>) target_semaphore(%arg11 : memref<!tpu.dma_semaphore, #tpu.memory_space<semaphore_mem>>)
    %mul3A_19 = arith.constant 80 : i32
    %mul3A_20 = arith.muli %add3A, %mul3A_19 : i32
    %dma_start3A_21 = arith.constant 1 : i32
    %dma_start3A_22 = arith.constant 0 : i32
    %dma_start3A_23 = tpu.memref_slice %arg3[%dma_start3A_21, %mul3A_20, %dma_start3A_22] : memref<2x2560x128xi32, #tpu.memory_space<hbm>> -> memref<1x80x128xi32, #tpu.memory_space<hbm>>
    %dma_start3A_24 = tpu.memref_squeeze %dma_start3A_23 : memref<1x80x128xi32, #tpu.memory_space<hbm>> -> memref<80x128xi32, #tpu.memory_space<hbm>>
    %dma_start3A_25 = arith.constant 0 : i32
    %dma_start3A_26 = tpu.memref_slice %arg3[%dma_start3A_21, %mul3A_20, %dma_start3A_25] : memref<2x2560x128xi32, #tpu.memory_space<hbm>> -> memref<1x80x128xi32, #tpu.memory_space<hbm>>
    %dma_start3A_27 = tpu.memref_squeeze %dma_start3A_26 : memref<1x80x128xi32, #tpu.memory_space<hbm>> -> memref<80x128xi32, #tpu.memory_space<hbm>>
    tpu.enqueue_dma source(%dma_start3A_27 : memref<80x128xi32, #tpu.memory_space<hbm>>) target(%arg7 : memref<80x128xi32, #tpu.memory_space<vmem>>) target_semaphore(%arg12 : memref<!tpu.dma_semaphore, #tpu.memory_space<semaphore_mem>>)
    %dma_wait3A = arith.constant 0 : i32
    %dma_wait3A_28 = tpu.memref_slice %arg9[%mul3A_2, %dma_wait3A] : memref<10240x32xf32, #tpu.memory_space<vmem_shared>> -> memref<640x32xf32, #tpu.memory_space<vmem_shared>>
    tpu.wait_dma2 semaphore(%arg13 : memref<!tpu.dma_semaphore, #tpu.memory_space<semaphore_mem>>) src(%arg4 : memref<640x32xf32, #tpu.memory_space<hbm>>) dst(%dma_wait3A_28 : memref<640x32xf32, #tpu.memory_space<vmem_shared>>)
    %dma_wait3A_29 = arith.constant 0 : i32
    %dma_wait3A_30 = tpu.memref_slice %arg10[%mul3A_4, %dma_wait3A_29] : memref<10000x32xf32, #tpu.memory_space<vmem_shared>> -> memref<625x32xf32, #tpu.memory_space<vmem_shared>>
    %dma_wait3A_31 = arith.constant 0 : i32
    %dma_wait3A_32 = tpu.memref_slice %arg2[%mul3A_4, %dma_wait3A_31] : memref<10000x128xf32, #tpu.memory_space<hbm>> -> memref<625x32xf32, #tpu.memory_space<hbm>>
    tpu.wait_dma2 semaphore(%arg13 : memref<!tpu.dma_semaphore, #tpu.memory_space<semaphore_mem>>) src(%dma_wait3A_32 : memref<625x32xf32, #tpu.memory_space<hbm>>) dst(%dma_wait3A_30 : memref<625x32xf32, #tpu.memory_space<vmem_shared>>)
    %mul3A_33 = arith.constant 80 : i32
    %mul3A_34 = arith.muli %add3A, %mul3A_33 : i32
    %dma_wait3A_35 = arith.constant 0 : i32
    %dma_wait3A_36 = arith.constant 0 : i32
    %dma_wait3A_37 = tpu.memref_slice %arg3[%dma_wait3A_35, %mul3A_34, %dma_wait3A_36] : memref<2x2560x128xi32, #tpu.memory_space<hbm>> -> memref<1x80x128xi32, #tpu.memory_space<hbm>>
    %dma_wait3A_38 = tpu.memref_squeeze %dma_wait3A_37 : memref<1x80x128xi32, #tpu.memory_space<hbm>> -> memref<80x128xi32, #tpu.memory_space<hbm>>
    %dma_wait3A_39 = arith.constant 0 : i32
    %dma_wait3A_40 = tpu.memref_slice %arg3[%dma_wait3A_35, %mul3A_34, %dma_wait3A_39] : memref<2x2560x128xi32, #tpu.memory_space<hbm>> -> memref<1x80x128xi32, #tpu.memory_space<hbm>>
    %dma_wait3A_41 = tpu.memref_squeeze %dma_wait3A_40 : memref<1x80x128xi32, #tpu.memory_space<hbm>> -> memref<80x128xi32, #tpu.memory_space<hbm>>
    tpu.wait_dma2 semaphore(%arg11 : memref<!tpu.dma_semaphore, #tpu.memory_space<semaphore_mem>>) src(%dma_wait3A_41 : memref<80x128xi32, #tpu.memory_space<hbm>>) dst(%arg6 : memref<80x128xi32, #tpu.memory_space<vmem>>)
    %dma_wait3A_42 = arith.constant 1 : i32
    %dma_wait3A_43 = arith.constant 0 : i32
    %dma_wait3A_44 = tpu.memref_slice %arg3[%dma_wait3A_42, %mul3A_20, %dma_wait3A_43] : memref<2x2560x128xi32, #tpu.memory_space<hbm>> -> memref<1x80x128xi32, #tpu.memory_space<hbm>>
    %dma_wait3A_45 = tpu.memref_squeeze %dma_wait3A_44 : memref<1x80x128xi32, #tpu.memory_space<hbm>> -> memref<80x128xi32, #tpu.memory_space<hbm>>
    %dma_wait3A_46 = arith.constant 0 : i32
    %dma_wait3A_47 = tpu.memref_slice %arg3[%dma_wait3A_42, %mul3A_20, %dma_wait3A_46] : memref<2x2560x128xi32, #tpu.memory_space<hbm>> -> memref<1x80x128xi32, #tpu.memory_space<hbm>>
    %dma_wait3A_48 = tpu.memref_squeeze %dma_wait3A_47 : memref<1x80x128xi32, #tpu.memory_space<hbm>> -> memref<80x128xi32, #tpu.memory_space<hbm>>
    tpu.wait_dma2 semaphore(%arg12 : memref<!tpu.dma_semaphore, #tpu.memory_space<semaphore_mem>>) src(%dma_wait3A_48 : memref<80x128xi32, #tpu.memory_space<hbm>>) dst(%arg7 : memref<80x128xi32, #tpu.memory_space<vmem>>)
    %barrier3A = arith.constant 0 : index
    tpu.barrier barrier_id(%barrier3A)
    %dma_start3A_49 = arith.constant 0 : i32
    %dma_start3A_50 = arith.constant 0 : i32
    %dma_start3A_51 = arith.constant 0 : i32
    %dma_start3A_52 = arith.constant 0 : i32
    %dma_start3A_53 = tpu.memref_slice %arg8[%dma_start3A_50, %dma_start3A_51, %dma_start3A_52] : memref<2x128x32xf32, #tpu.memory_space<vmem>> -> memref<1x128x32xf32, #tpu.memory_space<vmem>>
    %dma_start3A_54 = tpu.memref_squeeze %dma_start3A_53 : memref<1x128x32xf32, #tpu.memory_space<vmem>> -> memref<128x32xf32, #tpu.memory_space<vmem>>
    %dma_start3A_55 = arith.constant 0 : i32
    %dma_start3A_56 = tpu.memref_slice %arg6[%dma_start3A_49, %dma_start3A_55] : memref<80x128xi32, #tpu.memory_space<vmem>> -> memref<1x128xi32, #tpu.memory_space<vmem>>
    %dma_start3A_57 = tpu.memref_squeeze %dma_start3A_56 : memref<1x128xi32, #tpu.memory_space<vmem>> -> memref<128xi32, #tpu.memory_space<vmem>>
    %dma_start3A_58 = arith.constant 0 : i32
    %dma_start3A_59 = arith.constant 0 : i32
    %dma_start3A_60 = tpu.memref_slice %arg10[%dma_start3A_58, %dma_start3A_59] : memref<10000x32xf32, #tpu.memory_space<vmem_shared>> -> memref<10000x32xf32, #tpu.memory_space<vmem_shared>>
    tpu.enqueue_indirect_dma source(%dma_start3A_60 : memref<10000x32xf32, #tpu.memory_space<vmem_shared>>) target(%dma_start3A_54 : memref<128x32xf32, #tpu.memory_space<vmem>>) offsets(%dma_start3A_57 : memref<128xi32, #tpu.memory_space<vmem>>) semaphore(%arg11 : memref<!tpu.dma_semaphore, #tpu.memory_space<semaphore_mem>>)
    %scan3A = arith.constant 0 : i32
    %scan3A_61 = arith.constant 0 : i32
    %scan3A_62 = arith.constant 39 : i32
    %scan3A_63 = arith.addi %scan3A_61, %scan3A_62 : i32
    %scan3A_64 = arith.constant 1 : i32
    scf.for %scan3A_108 = %scan3A_61 to %scan3A_63 step %scan3A_64  : i32 {
      %mul3A_109 = arith.constant 2 : i32
      %mul3A_110 = arith.muli %scan3A_108, %mul3A_109 : i32
      %dma_wait3A_111 = arith.constant 0 : i32
      %dma_wait3A_112 = arith.constant 0 : i32
      %dma_wait3A_113 = arith.constant 0 : i32
      %dma_wait3A_114 = tpu.memref_slice %arg8[%dma_wait3A_111, %dma_wait3A_112, %dma_wait3A_113] : memref<2x128x32xf32, #tpu.memory_space<vmem>> -> memref<1x128x32xf32, #tpu.memory_space<vmem>>
      %dma_wait3A_115 = tpu.memref_squeeze %dma_wait3A_114 : memref<1x128x32xf32, #tpu.memory_space<vmem>> -> memref<128x32xf32, #tpu.memory_space<vmem>>
      %dma_wait3A_116 = arith.constant 0 : i32
      %dma_wait3A_117 = tpu.memref_slice %arg6[%mul3A_110, %dma_wait3A_116] : memref<80x128xi32, #tpu.memory_space<vmem>> -> memref<1x128xi32, #tpu.memory_space<vmem>>
      %dma_wait3A_118 = tpu.memref_squeeze %dma_wait3A_117 : memref<1x128xi32, #tpu.memory_space<vmem>> -> memref<128xi32, #tpu.memory_space<vmem>>
      %dma_wait3A_119 = arith.constant 0 : i32
      %dma_wait3A_120 = arith.constant 0 : i32
      %dma_wait3A_121 = tpu.memref_slice %arg10[%dma_wait3A_119, %dma_wait3A_120] : memref<10000x32xf32, #tpu.memory_space<vmem_shared>> -> memref<10000x32xf32, #tpu.memory_space<vmem_shared>>
      tpu.wait_indirect_dma semaphore(%arg11 : memref<!tpu.dma_semaphore, #tpu.memory_space<semaphore_mem>>) src(%dma_wait3A_121 : memref<10000x32xf32, #tpu.memory_space<vmem_shared>>) dst(%dma_wait3A_115 : memref<128x32xf32, #tpu.memory_space<vmem>>)
      %add3A_122 = arith.constant 1 : i32
      %add3A_123 = arith.addi %mul3A_110, %add3A_122 : i32
      %dma_start3A_124 = arith.constant 1 : i32
      %dma_start3A_125 = arith.constant 0 : i32
      %dma_start3A_126 = arith.constant 0 : i32
      %dma_start3A_127 = tpu.memref_slice %arg8[%dma_start3A_124, %dma_start3A_125, %dma_start3A_126] : memref<2x128x32xf32, #tpu.memory_space<vmem>> -> memref<1x128x32xf32, #tpu.memory_space<vmem>>
      %dma_start3A_128 = tpu.memref_squeeze %dma_start3A_127 : memref<1x128x32xf32, #tpu.memory_space<vmem>> -> memref<128x32xf32, #tpu.memory_space<vmem>>
      %dma_start3A_129 = arith.constant 0 : i32
      %dma_start3A_130 = tpu.memref_slice %arg6[%add3A_123, %dma_start3A_129] : memref<80x128xi32, #tpu.memory_space<vmem>> -> memref<1x128xi32, #tpu.memory_space<vmem>>
      %dma_start3A_131 = tpu.memref_squeeze %dma_start3A_130 : memref<1x128xi32, #tpu.memory_space<vmem>> -> memref<128xi32, #tpu.memory_space<vmem>>
      %dma_start3A_132 = arith.constant 0 : i32
      %dma_start3A_133 = arith.constant 0 : i32
      %dma_start3A_134 = tpu.memref_slice %arg10[%dma_start3A_132, %dma_start3A_133] : memref<10000x32xf32, #tpu.memory_space<vmem_shared>> -> memref<10000x32xf32, #tpu.memory_space<vmem_shared>>
      tpu.enqueue_indirect_dma source(%dma_start3A_134 : memref<10000x32xf32, #tpu.memory_space<vmem_shared>>) target(%dma_start3A_128 : memref<128x32xf32, #tpu.memory_space<vmem>>) offsets(%dma_start3A_131 : memref<128xi32, #tpu.memory_space<vmem>>) semaphore(%arg12 : memref<!tpu.dma_semaphore, #tpu.memory_space<semaphore_mem>>)
      %run_scoped3A_135 = arith.constant 0 : i32
      "tpu.region"() ({
        %run_scoped3A_165 = tpu.sem_alloc : memref<!tpu.dma_semaphore, #tpu.memory_space<semaphore_mem>>
        %dma_start3A_166 = arith.constant 0 : i32
        %dma_start3A_167 = arith.constant 0 : i32
        %dma_start3A_168 = tpu.memref_slice %arg8[%run_scoped3A_135, %dma_start3A_166, %dma_start3A_167] : memref<2x128x32xf32, #tpu.memory_space<vmem>> -> memref<1x128x32xf32, #tpu.memory_space<vmem>>
        %dma_start3A_169 = tpu.memref_squeeze %dma_start3A_168 : memref<1x128x32xf32, #tpu.memory_space<vmem>> -> memref<128x32xf32, #tpu.memory_space<vmem>>
        %dma_start3A_170 = arith.constant 0 : i32
        %dma_start3A_171 = tpu.memref_slice %arg7[%mul3A_110, %dma_start3A_170] : memref<80x128xi32, #tpu.memory_space<vmem>> -> memref<1x128xi32, #tpu.memory_space<vmem>>
        %dma_start3A_172 = tpu.memref_squeeze %dma_start3A_171 : memref<1x128xi32, #tpu.memory_space<vmem>> -> memref<128xi32, #tpu.memory_space<vmem>>
        %dma_start3A_173 = arith.constant 0 : i32
        %dma_start3A_174 = arith.constant 0 : i32
        %dma_start3A_175 = tpu.memref_slice %arg9[%dma_start3A_173, %dma_start3A_174] : memref<10240x32xf32, #tpu.memory_space<vmem_shared>> -> memref<10240x32xf32, #tpu.memory_space<vmem_shared>>
        tpu.enqueue_indirect_dma source(%dma_start3A_169 : memref<128x32xf32, #tpu.memory_space<vmem>>) target(%dma_start3A_175 : memref<10240x32xf32, #tpu.memory_space<vmem_shared>>) offsets(%dma_start3A_172 : memref<128xi32, #tpu.memory_space<vmem>>) semaphore(%run_scoped3A_165 : memref<!tpu.dma_semaphore, #tpu.memory_space<semaphore_mem>>) {add = true}
        %dma_wait3A_176 = arith.constant 0 : i32
        %dma_wait3A_177 = arith.constant 0 : i32
        %dma_wait3A_178 = tpu.memref_slice %arg8[%run_scoped3A_135, %dma_wait3A_176, %dma_wait3A_177] : memref<2x128x32xf32, #tpu.memory_space<vmem>> -> memref<1x128x32xf32, #tpu.memory_space<vmem>>
        %dma_wait3A_179 = tpu.memref_squeeze %dma_wait3A_178 : memref<1x128x32xf32, #tpu.memory_space<vmem>> -> memref<128x32xf32, #tpu.memory_space<vmem>>
        %dma_wait3A_180 = arith.constant 0 : i32
        %dma_wait3A_181 = tpu.memref_slice %arg7[%mul3A_110, %dma_wait3A_180] : memref<80x128xi32, #tpu.memory_space<vmem>> -> memref<1x128xi32, #tpu.memory_space<vmem>>
        %dma_wait3A_182 = tpu.memref_squeeze %dma_wait3A_181 : memref<1x128xi32, #tpu.memory_space<vmem>> -> memref<128xi32, #tpu.memory_space<vmem>>
        %dma_wait3A_183 = arith.constant 0 : i32
        %dma_wait3A_184 = arith.constant 0 : i32
        %dma_wait3A_185 = tpu.memref_slice %arg9[%dma_wait3A_183, %dma_wait3A_184] : memref<10240x32xf32, #tpu.memory_space<vmem_shared>> -> memref<10240x32xf32, #tpu.memory_space<vmem_shared>>
        tpu.wait_indirect_dma semaphore(%run_scoped3A_165 : memref<!tpu.dma_semaphore, #tpu.memory_space<semaphore_mem>>) src(%dma_wait3A_179 : memref<128x32xf32, #tpu.memory_space<vmem>>) dst(%dma_wait3A_185 : memref<10240x32xf32, #tpu.memory_space<vmem_shared>>)
        tpu.yield
      }) : () -> ()
      %mul3A_136 = arith.constant 2 : i32
      %mul3A_137 = arith.muli %scan3A_108, %mul3A_136 : i32
      %add3A_138 = arith.constant 1 : i32
      %add3A_139 = arith.addi %mul3A_137, %add3A_138 : i32
      %dma_wait3A_140 = arith.constant 1 : i32
      %dma_wait3A_141 = arith.constant 0 : i32
      %dma_wait3A_142 = arith.constant 0 : i32
      %dma_wait3A_143 = tpu.memref_slice %arg8[%dma_wait3A_140, %dma_wait3A_141, %dma_wait3A_142] : memref<2x128x32xf32, #tpu.memory_space<vmem>> -> memref<1x128x32xf32, #tpu.memory_space<vmem>>
      %dma_wait3A_144 = tpu.memref_squeeze %dma_wait3A_143 : memref<1x128x32xf32, #tpu.memory_space<vmem>> -> memref<128x32xf32, #tpu.memory_space<vmem>>
      %dma_wait3A_145 = arith.constant 0 : i32
      %dma_wait3A_146 = tpu.memref_slice %arg6[%add3A_139, %dma_wait3A_145] : memref<80x128xi32, #tpu.memory_space<vmem>> -> memref<1x128xi32, #tpu.memory_space<vmem>>
      %dma_wait3A_147 = tpu.memref_squeeze %dma_wait3A_146 : memref<1x128xi32, #tpu.memory_space<vmem>> -> memref<128xi32, #tpu.memory_space<vmem>>
      %dma_wait3A_148 = arith.constant 0 : i32
      %dma_wait3A_149 = arith.constant 0 : i32
      %dma_wait3A_150 = tpu.memref_slice %arg10[%dma_wait3A_148, %dma_wait3A_149] : memref<10000x32xf32, #tpu.memory_space<vmem_shared>> -> memref<10000x32xf32, #tpu.memory_space<vmem_shared>>
      tpu.wait_indirect_dma semaphore(%arg12 : memref<!tpu.dma_semaphore, #tpu.memory_space<semaphore_mem>>) src(%dma_wait3A_150 : memref<10000x32xf32, #tpu.memory_space<vmem_shared>>) dst(%dma_wait3A_144 : memref<128x32xf32, #tpu.memory_space<vmem>>)
      %add3A_151 = arith.constant 1 : i32
      %add3A_152 = arith.addi %add3A_139, %add3A_151 : i32
      %dma_start3A_153 = arith.constant 0 : i32
      %dma_start3A_154 = arith.constant 0 : i32
      %dma_start3A_155 = arith.constant 0 : i32
      %dma_start3A_156 = tpu.memref_slice %arg8[%dma_start3A_153, %dma_start3A_154, %dma_start3A_155] : memref<2x128x32xf32, #tpu.memory_space<vmem>> -> memref<1x128x32xf32, #tpu.memory_space<vmem>>
      %dma_start3A_157 = tpu.memref_squeeze %dma_start3A_156 : memref<1x128x32xf32, #tpu.memory_space<vmem>> -> memref<128x32xf32, #tpu.memory_space<vmem>>
      %dma_start3A_158 = arith.constant 0 : i32
      %dma_start3A_159 = tpu.memref_slice %arg6[%add3A_152, %dma_start3A_158] : memref<80x128xi32, #tpu.memory_space<vmem>> -> memref<1x128xi32, #tpu.memory_space<vmem>>
      %dma_start3A_160 = tpu.memref_squeeze %dma_start3A_159 : memref<1x128xi32, #tpu.memory_space<vmem>> -> memref<128xi32, #tpu.memory_space<vmem>>
      %dma_start3A_161 = arith.constant 0 : i32
      %dma_start3A_162 = arith.constant 0 : i32
      %dma_start3A_163 = tpu.memref_slice %arg10[%dma_start3A_161, %dma_start3A_162] : memref<10000x32xf32, #tpu.memory_space<vmem_shared>> -> memref<10000x32xf32, #tpu.memory_space<vmem_shared>>
      tpu.enqueue_indirect_dma source(%dma_start3A_163 : memref<10000x32xf32, #tpu.memory_space<vmem_shared>>) target(%dma_start3A_157 : memref<128x32xf32, #tpu.memory_space<vmem>>) offsets(%dma_start3A_160 : memref<128xi32, #tpu.memory_space<vmem>>) semaphore(%arg11 : memref<!tpu.dma_semaphore, #tpu.memory_space<semaphore_mem>>)
      %run_scoped3A_164 = arith.constant 1 : i32
      "tpu.region"() ({
        %run_scoped3A_165 = tpu.sem_alloc : memref<!tpu.dma_semaphore, #tpu.memory_space<semaphore_mem>>
        %dma_start3A_166 = arith.constant 0 : i32
        %dma_start3A_167 = arith.constant 0 : i32
        %dma_start3A_168 = tpu.memref_slice %arg8[%run_scoped3A_164, %dma_start3A_166, %dma_start3A_167] : memref<2x128x32xf32, #tpu.memory_space<vmem>> -> memref<1x128x32xf32, #tpu.memory_space<vmem>>
        %dma_start3A_169 = tpu.memref_squeeze %dma_start3A_168 : memref<1x128x32xf32, #tpu.memory_space<vmem>> -> memref<128x32xf32, #tpu.memory_space<vmem>>
        %dma_start3A_170 = arith.constant 0 : i32
        %dma_start3A_171 = tpu.memref_slice %arg7[%add3A_139, %dma_start3A_170] : memref<80x128xi32, #tpu.memory_space<vmem>> -> memref<1x128xi32, #tpu.memory_space<vmem>>
        %dma_start3A_172 = tpu.memref_squeeze %dma_start3A_171 : memref<1x128xi32, #tpu.memory_space<vmem>> -> memref<128xi32, #tpu.memory_space<vmem>>
        %dma_start3A_173 = arith.constant 0 : i32
        %dma_start3A_174 = arith.constant 0 : i32
        %dma_start3A_175 = tpu.memref_slice %arg9[%dma_start3A_173, %dma_start3A_174] : memref<10240x32xf32, #tpu.memory_space<vmem_shared>> -> memref<10240x32xf32, #tpu.memory_space<vmem_shared>>
        tpu.enqueue_indirect_dma source(%dma_start3A_169 : memref<128x32xf32, #tpu.memory_space<vmem>>) target(%dma_start3A_175 : memref<10240x32xf32, #tpu.memory_space<vmem_shared>>) offsets(%dma_start3A_172 : memref<128xi32, #tpu.memory_space<vmem>>) semaphore(%run_scoped3A_165 : memref<!tpu.dma_semaphore, #tpu.memory_space<semaphore_mem>>) {add = true}
        %dma_wait3A_176 = arith.constant 0 : i32
        %dma_wait3A_177 = arith.constant 0 : i32
        %dma_wait3A_178 = tpu.memref_slice %arg8[%run_scoped3A_164, %dma_wait3A_176, %dma_wait3A_177] : memref<2x128x32xf32, #tpu.memory_space<vmem>> -> memref<1x128x32xf32, #tpu.memory_space<vmem>>
        %dma_wait3A_179 = tpu.memref_squeeze %dma_wait3A_178 : memref<1x128x32xf32, #tpu.memory_space<vmem>> -> memref<128x32xf32, #tpu.memory_space<vmem>>
        %dma_wait3A_180 = arith.constant 0 : i32
        %dma_wait3A_181 = tpu.memref_slice %arg7[%add3A_139, %dma_wait3A_180] : memref<80x128xi32, #tpu.memory_space<vmem>> -> memref<1x128xi32, #tpu.memory_space<vmem>>
        %dma_wait3A_182 = tpu.memref_squeeze %dma_wait3A_181 : memref<1x128xi32, #tpu.memory_space<vmem>> -> memref<128xi32, #tpu.memory_space<vmem>>
        %dma_wait3A_183 = arith.constant 0 : i32
        %dma_wait3A_184 = arith.constant 0 : i32
        %dma_wait3A_185 = tpu.memref_slice %arg9[%dma_wait3A_183, %dma_wait3A_184] : memref<10240x32xf32, #tpu.memory_space<vmem_shared>> -> memref<10240x32xf32, #tpu.memory_space<vmem_shared>>
        tpu.wait_indirect_dma semaphore(%run_scoped3A_165 : memref<!tpu.dma_semaphore, #tpu.memory_space<semaphore_mem>>) src(%dma_wait3A_179 : memref<128x32xf32, #tpu.memory_space<vmem>>) dst(%dma_wait3A_185 : memref<10240x32xf32, #tpu.memory_space<vmem_shared>>)
        tpu.yield
      }) : () -> ()
    }
    %scan3A_65 = arith.constant 39 : i32
    %dma_wait3A_66 = arith.constant 78 : i32
    %dma_wait3A_67 = arith.constant 0 : i32
    %dma_wait3A_68 = arith.constant 0 : i32
    %dma_wait3A_69 = arith.constant 0 : i32
    %dma_wait3A_70 = tpu.memref_slice %arg8[%dma_wait3A_67, %dma_wait3A_68, %dma_wait3A_69] : memref<2x128x32xf32, #tpu.memory_space<vmem>> -> memref<1x128x32xf32, #tpu.memory_space<vmem>>
    %dma_wait3A_71 = tpu.memref_squeeze %dma_wait3A_70 : memref<1x128x32xf32, #tpu.memory_space<vmem>> -> memref<128x32xf32, #tpu.memory_space<vmem>>
    %dma_wait3A_72 = arith.constant 0 : i32
    %dma_wait3A_73 = tpu.memref_slice %arg6[%dma_wait3A_66, %dma_wait3A_72] : memref<80x128xi32, #tpu.memory_space<vmem>> -> memref<1x128xi32, #tpu.memory_space<vmem>>
    %dma_wait3A_74 = tpu.memref_squeeze %dma_wait3A_73 : memref<1x128xi32, #tpu.memory_space<vmem>> -> memref<128xi32, #tpu.memory_space<vmem>>
    %dma_wait3A_75 = arith.constant 0 : i32
    %dma_wait3A_76 = arith.constant 0 : i32
    %dma_wait3A_77 = tpu.memref_slice %arg10[%dma_wait3A_75, %dma_wait3A_76] : memref<10000x32xf32, #tpu.memory_space<vmem_shared>> -> memref<10000x32xf32, #tpu.memory_space<vmem_shared>>
    tpu.wait_indirect_dma semaphore(%arg11 : memref<!tpu.dma_semaphore, #tpu.memory_space<semaphore_mem>>) src(%dma_wait3A_77 : memref<10000x32xf32, #tpu.memory_space<vmem_shared>>) dst(%dma_wait3A_71 : memref<128x32xf32, #tpu.memory_space<vmem>>)
    %dma_start3A_78 = arith.constant 79 : i32
    %dma_start3A_79 = arith.constant 1 : i32
    %dma_start3A_80 = arith.constant 0 : i32
    %dma_start3A_81 = arith.constant 0 : i32
    %dma_start3A_82 = tpu.memref_slice %arg8[%dma_start3A_79, %dma_start3A_80, %dma_start3A_81] : memref<2x128x32xf32, #tpu.memory_space<vmem>> -> memref<1x128x32xf32, #tpu.memory_space<vmem>>
    %dma_start3A_83 = tpu.memref_squeeze %dma_start3A_82 : memref<1x128x32xf32, #tpu.memory_space<vmem>> -> memref<128x32xf32, #tpu.memory_space<vmem>>
    %dma_start3A_84 = arith.constant 0 : i32
    %dma_start3A_85 = tpu.memref_slice %arg6[%dma_start3A_78, %dma_start3A_84] : memref<80x128xi32, #tpu.memory_space<vmem>> -> memref<1x128xi32, #tpu.memory_space<vmem>>
    %dma_start3A_86 = tpu.memref_squeeze %dma_start3A_85 : memref<1x128xi32, #tpu.memory_space<vmem>> -> memref<128xi32, #tpu.memory_space<vmem>>
    %dma_start3A_87 = arith.constant 0 : i32
    %dma_start3A_88 = arith.constant 0 : i32
    %dma_start3A_89 = tpu.memref_slice %arg10[%dma_start3A_87, %dma_start3A_88] : memref<10000x32xf32, #tpu.memory_space<vmem_shared>> -> memref<10000x32xf32, #tpu.memory_space<vmem_shared>>
    tpu.enqueue_indirect_dma source(%dma_start3A_89 : memref<10000x32xf32, #tpu.memory_space<vmem_shared>>) target(%dma_start3A_83 : memref<128x32xf32, #tpu.memory_space<vmem>>) offsets(%dma_start3A_86 : memref<128xi32, #tpu.memory_space<vmem>>) semaphore(%arg12 : memref<!tpu.dma_semaphore, #tpu.memory_space<semaphore_mem>>)
    %run_scoped3A = arith.constant 0 : i32
    %run_scoped3A_90 = arith.constant 78 : i32
    "tpu.region"() ({
      %run_scoped3A_108 = tpu.sem_alloc : memref<!tpu.dma_semaphore, #tpu.memory_space<semaphore_mem>>
      %dma_start3A_109 = arith.constant 0 : i32
      %dma_start3A_110 = arith.constant 0 : i32
      %dma_start3A_111 = tpu.memref_slice %arg8[%run_scoped3A, %dma_start3A_109, %dma_start3A_110] : memref<2x128x32xf32, #tpu.memory_space<vmem>> -> memref<1x128x32xf32, #tpu.memory_space<vmem>>
      %dma_start3A_112 = tpu.memref_squeeze %dma_start3A_111 : memref<1x128x32xf32, #tpu.memory_space<vmem>> -> memref<128x32xf32, #tpu.memory_space<vmem>>
      %dma_start3A_113 = arith.constant 0 : i32
      %dma_start3A_114 = tpu.memref_slice %arg7[%run_scoped3A_90, %dma_start3A_113] : memref<80x128xi32, #tpu.memory_space<vmem>> -> memref<1x128xi32, #tpu.memory_space<vmem>>
      %dma_start3A_115 = tpu.memref_squeeze %dma_start3A_114 : memref<1x128xi32, #tpu.memory_space<vmem>> -> memref<128xi32, #tpu.memory_space<vmem>>
      %dma_start3A_116 = arith.constant 0 : i32
      %dma_start3A_117 = arith.constant 0 : i32
      %dma_start3A_118 = tpu.memref_slice %arg9[%dma_start3A_116, %dma_start3A_117] : memref<10240x32xf32, #tpu.memory_space<vmem_shared>> -> memref<10240x32xf32, #tpu.memory_space<vmem_shared>>
      tpu.enqueue_indirect_dma source(%dma_start3A_112 : memref<128x32xf32, #tpu.memory_space<vmem>>) target(%dma_start3A_118 : memref<10240x32xf32, #tpu.memory_space<vmem_shared>>) offsets(%dma_start3A_115 : memref<128xi32, #tpu.memory_space<vmem>>) semaphore(%run_scoped3A_108 : memref<!tpu.dma_semaphore, #tpu.memory_space<semaphore_mem>>) {add = true}
      %dma_wait3A_119 = arith.constant 0 : i32
      %dma_wait3A_120 = arith.constant 0 : i32
      %dma_wait3A_121 = tpu.memref_slice %arg8[%run_scoped3A, %dma_wait3A_119, %dma_wait3A_120] : memref<2x128x32xf32, #tpu.memory_space<vmem>> -> memref<1x128x32xf32, #tpu.memory_space<vmem>>
      %dma_wait3A_122 = tpu.memref_squeeze %dma_wait3A_121 : memref<1x128x32xf32, #tpu.memory_space<vmem>> -> memref<128x32xf32, #tpu.memory_space<vmem>>
      %dma_wait3A_123 = arith.constant 0 : i32
      %dma_wait3A_124 = tpu.memref_slice %arg7[%run_scoped3A_90, %dma_wait3A_123] : memref<80x128xi32, #tpu.memory_space<vmem>> -> memref<1x128xi32, #tpu.memory_space<vmem>>
      %dma_wait3A_125 = tpu.memref_squeeze %dma_wait3A_124 : memref<1x128xi32, #tpu.memory_space<vmem>> -> memref<128xi32, #tpu.memory_space<vmem>>
      %dma_wait3A_126 = arith.constant 0 : i32
      %dma_wait3A_127 = arith.constant 0 : i32
      %dma_wait3A_128 = tpu.memref_slice %arg9[%dma_wait3A_126, %dma_wait3A_127] : memref<10240x32xf32, #tpu.memory_space<vmem_shared>> -> memref<10240x32xf32, #tpu.memory_space<vmem_shared>>
      tpu.wait_indirect_dma semaphore(%run_scoped3A_108 : memref<!tpu.dma_semaphore, #tpu.memory_space<semaphore_mem>>) src(%dma_wait3A_122 : memref<128x32xf32, #tpu.memory_space<vmem>>) dst(%dma_wait3A_128 : memref<10240x32xf32, #tpu.memory_space<vmem_shared>>)
      tpu.yield
    }) : () -> ()
    %dma_wait3A_91 = arith.constant 79 : i32
    %dma_wait3A_92 = arith.constant 1 : i32
    %dma_wait3A_93 = arith.constant 0 : i32
    %dma_wait3A_94 = arith.constant 0 : i32
    %dma_wait3A_95 = tpu.memref_slice %arg8[%dma_wait3A_92, %dma_wait3A_93, %dma_wait3A_94] : memref<2x128x32xf32, #tpu.memory_space<vmem>> -> memref<1x128x32xf32, #tpu.memory_space<vmem>>
    %dma_wait3A_96 = tpu.memref_squeeze %dma_wait3A_95 : memref<1x128x32xf32, #tpu.memory_space<vmem>> -> memref<128x32xf32, #tpu.memory_space<vmem>>
    %dma_wait3A_97 = arith.constant 0 : i32
    %dma_wait3A_98 = tpu.memref_slice %arg6[%dma_wait3A_91, %dma_wait3A_97] : memref<80x128xi32, #tpu.memory_space<vmem>> -> memref<1x128xi32, #tpu.memory_space<vmem>>
    %dma_wait3A_99 = tpu.memref_squeeze %dma_wait3A_98 : memref<1x128xi32, #tpu.memory_space<vmem>> -> memref<128xi32, #tpu.memory_space<vmem>>
    %dma_wait3A_100 = arith.constant 0 : i32
    %dma_wait3A_101 = arith.constant 0 : i32
    %dma_wait3A_102 = tpu.memref_slice %arg10[%dma_wait3A_100, %dma_wait3A_101] : memref<10000x32xf32, #tpu.memory_space<vmem_shared>> -> memref<10000x32xf32, #tpu.memory_space<vmem_shared>>
    tpu.wait_indirect_dma semaphore(%arg12 : memref<!tpu.dma_semaphore, #tpu.memory_space<semaphore_mem>>) src(%dma_wait3A_102 : memref<10000x32xf32, #tpu.memory_space<vmem_shared>>) dst(%dma_wait3A_96 : memref<128x32xf32, #tpu.memory_space<vmem>>)
    %run_scoped3A_103 = arith.constant 1 : i32
    %run_scoped3A_104 = arith.constant 79 : i32
    "tpu.region"() ({
      %run_scoped3A_108 = tpu.sem_alloc : memref<!tpu.dma_semaphore, #tpu.memory_space<semaphore_mem>>
      %dma_start3A_109 = arith.constant 0 : i32
      %dma_start3A_110 = arith.constant 0 : i32
      %dma_start3A_111 = tpu.memref_slice %arg8[%run_scoped3A_103, %dma_start3A_109, %dma_start3A_110] : memref<2x128x32xf32, #tpu.memory_space<vmem>> -> memref<1x128x32xf32, #tpu.memory_space<vmem>>
      %dma_start3A_112 = tpu.memref_squeeze %dma_start3A_111 : memref<1x128x32xf32, #tpu.memory_space<vmem>> -> memref<128x32xf32, #tpu.memory_space<vmem>>
      %dma_start3A_113 = arith.constant 0 : i32
      %dma_start3A_114 = tpu.memref_slice %arg7[%run_scoped3A_104, %dma_start3A_113] : memref<80x128xi32, #tpu.memory_space<vmem>> -> memref<1x128xi32, #tpu.memory_space<vmem>>
      %dma_start3A_115 = tpu.memref_squeeze %dma_start3A_114 : memref<1x128xi32, #tpu.memory_space<vmem>> -> memref<128xi32, #tpu.memory_space<vmem>>
      %dma_start3A_116 = arith.constant 0 : i32
      %dma_start3A_117 = arith.constant 0 : i32
      %dma_start3A_118 = tpu.memref_slice %arg9[%dma_start3A_116, %dma_start3A_117] : memref<10240x32xf32, #tpu.memory_space<vmem_shared>> -> memref<10240x32xf32, #tpu.memory_space<vmem_shared>>
      tpu.enqueue_indirect_dma source(%dma_start3A_112 : memref<128x32xf32, #tpu.memory_space<vmem>>) target(%dma_start3A_118 : memref<10240x32xf32, #tpu.memory_space<vmem_shared>>) offsets(%dma_start3A_115 : memref<128xi32, #tpu.memory_space<vmem>>) semaphore(%run_scoped3A_108 : memref<!tpu.dma_semaphore, #tpu.memory_space<semaphore_mem>>) {add = true}
      %dma_wait3A_119 = arith.constant 0 : i32
      %dma_wait3A_120 = arith.constant 0 : i32
      %dma_wait3A_121 = tpu.memref_slice %arg8[%run_scoped3A_103, %dma_wait3A_119, %dma_wait3A_120] : memref<2x128x32xf32, #tpu.memory_space<vmem>> -> memref<1x128x32xf32, #tpu.memory_space<vmem>>
      %dma_wait3A_122 = tpu.memref_squeeze %dma_wait3A_121 : memref<1x128x32xf32, #tpu.memory_space<vmem>> -> memref<128x32xf32, #tpu.memory_space<vmem>>
      %dma_wait3A_123 = arith.constant 0 : i32
      %dma_wait3A_124 = tpu.memref_slice %arg7[%run_scoped3A_104, %dma_wait3A_123] : memref<80x128xi32, #tpu.memory_space<vmem>> -> memref<1x128xi32, #tpu.memory_space<vmem>>
      %dma_wait3A_125 = tpu.memref_squeeze %dma_wait3A_124 : memref<1x128xi32, #tpu.memory_space<vmem>> -> memref<128xi32, #tpu.memory_space<vmem>>
      %dma_wait3A_126 = arith.constant 0 : i32
      %dma_wait3A_127 = arith.constant 0 : i32
      %dma_wait3A_128 = tpu.memref_slice %arg9[%dma_wait3A_126, %dma_wait3A_127] : memref<10240x32xf32, #tpu.memory_space<vmem_shared>> -> memref<10240x32xf32, #tpu.memory_space<vmem_shared>>
      tpu.wait_indirect_dma semaphore(%run_scoped3A_108 : memref<!tpu.dma_semaphore, #tpu.memory_space<semaphore_mem>>) src(%dma_wait3A_122 : memref<128x32xf32, #tpu.memory_space<vmem>>) dst(%dma_wait3A_128 : memref<10240x32xf32, #tpu.memory_space<vmem_shared>>)
      tpu.yield
    }) : () -> ()
    %barrier3A_105 = arith.constant 0 : index
    tpu.barrier barrier_id(%barrier3A_105)
    %mul3A_106 = arith.constant 64 : i32
    %mul3A_107 = arith.muli %arg0, %mul3A_106 : i32
    "tpu.region"() ({
      %run_scoped3A_108 = tpu.sem_alloc : memref<!tpu.dma_semaphore, #tpu.memory_space<semaphore_mem>>
      %dma_start3A_109 = tpu.memref_slice %arg5[%mul3A_2, %mul3A_107] : memref<10240x128xf32, #tpu.memory_space<hbm>> -> memref<640x32xf32, #tpu.memory_space<hbm>>
      %dma_start3A_110 = arith.constant 0 : i32
      %dma_start3A_111 = tpu.memref_slice %arg9[%mul3A_2, %dma_start3A_110] : memref<10240x32xf32, #tpu.memory_space<vmem_shared>> -> memref<640x32xf32, #tpu.memory_space<vmem_shared>>
      tpu.enqueue_dma source(%dma_start3A_111 : memref<640x32xf32, #tpu.memory_space<vmem_shared>>) target(%dma_start3A_109 : memref<640x32xf32, #tpu.memory_space<hbm>>) target_semaphore(%run_scoped3A_108 : memref<!tpu.dma_semaphore, #tpu.memory_space<semaphore_mem>>)
      %dma_wait3A_112 = tpu.memref_slice %arg5[%mul3A_2, %mul3A_107] : memref<10240x128xf32, #tpu.memory_space<hbm>> -> memref<640x32xf32, #tpu.memory_space<hbm>>
      %dma_wait3A_113 = arith.constant 0 : i32
      %dma_wait3A_114 = tpu.memref_slice %arg9[%mul3A_2, %dma_wait3A_113] : memref<10240x32xf32, #tpu.memory_space<vmem_shared>> -> memref<640x32xf32, #tpu.memory_space<vmem_shared>>
      tpu.wait_dma2 semaphore(%run_scoped3A_108 : memref<!tpu.dma_semaphore, #tpu.memory_space<semaphore_mem>>) src(%dma_wait3A_114 : memref<640x32xf32, #tpu.memory_space<vmem_shared>>) dst(%dma_wait3A_112 : memref<640x32xf32, #tpu.memory_space<hbm>>)
      tpu.yield
    }) : () -> ()
    return
  }
}

#map = affine_map<(d0, d1) -> (0, 0)>
#map1 = affine_map<(d0, d1) -> (0, 0, 0)>
module attributes {stable_mosaic.version = 14 : i64} {
  func.func @sc_kernel(%arg0: i32, %arg1: i32, %arg2: memref<10000x128xf32, #tpu.memory_space<hbm>>, %arg3: memref<2x2560x128xi32, #tpu.memory_space<hbm>>, %arg4: memref<640x48xf32, #tpu.memory_space<hbm>>, %arg5: memref<10240x128xf32, #tpu.memory_space<hbm>>, %arg6: memref<80x128xi32, #tpu.memory_space<vmem>>, %arg7: memref<80x128xi32, #tpu.memory_space<vmem>>, %arg8: memref<2x128x48xf32, #tpu.memory_space<vmem>>, %arg9: memref<10240x48xf32, #tpu.memory_space<vmem_shared>>, %arg10: memref<10000x48xf32, #tpu.memory_space<vmem_shared>>, %arg11: memref<!tpu.dma_semaphore, #tpu.memory_space<semaphore_mem>>, %arg12: memref<!tpu.dma_semaphore, #tpu.memory_space<semaphore_mem>>, %arg13: memref<!tpu.dma_semaphore, #tpu.memory_space<semaphore_mem>>) attributes {dimension_semantics = [#tpu.dimension_semantics<core_parallel>, #tpu.dimension_semantics<subcore_parallel>], iteration_bounds = array<i64: 2, 16>, scalar_prefetch = 0 : i64, scratch_operands = 8 : i64, tpu.core_type = #tpu.core_type<sc_vector_subcore>, window_params = [{transform_indices = #map}, {transform_indices = #map1}, {transform_indices = #map}, {transform_indices = #map}]} {
    %mul3A = arith.constant 2 : i32
    %mul3A_0 = arith.muli %arg1, %mul3A : i32
    %add3A = arith.addi %mul3A_0, %arg0 : i32
    %mul3A_1 = arith.constant 640 : i32
    %mul3A_2 = arith.muli %arg1, %mul3A_1 : i32
    %mul3A_3 = arith.constant 625 : i32
    %mul3A_4 = arith.muli %arg1, %mul3A_3 : i32
    %dma_start3A = arith.constant 0 : i32
    %dma_start3A_5 = tpu.memref_slice %arg9[%mul3A_2, %dma_start3A] : memref<10240x48xf32, #tpu.memory_space<vmem_shared>> -> memref<640x48xf32, #tpu.memory_space<vmem_shared>>
    tpu.enqueue_dma source(%arg4 : memref<640x48xf32, #tpu.memory_space<hbm>>) target(%dma_start3A_5 : memref<640x48xf32, #tpu.memory_space<vmem_shared>>) target_semaphore(%arg13 : memref<!tpu.dma_semaphore, #tpu.memory_space<semaphore_mem>>)
    %dma_start3A_6 = arith.constant 0 : i32
    %dma_start3A_7 = tpu.memref_slice %arg10[%mul3A_4, %dma_start3A_6] : memref<10000x48xf32, #tpu.memory_space<vmem_shared>> -> memref<625x48xf32, #tpu.memory_space<vmem_shared>>
    %dma_start3A_8 = arith.constant 0 : i32
    %dma_start3A_9 = tpu.memref_slice %arg2[%mul3A_4, %dma_start3A_8] : memref<10000x128xf32, #tpu.memory_space<hbm>> -> memref<625x48xf32, #tpu.memory_space<hbm>>
    tpu.enqueue_dma source(%dma_start3A_9 : memref<625x48xf32, #tpu.memory_space<hbm>>) target(%dma_start3A_7 : memref<625x48xf32, #tpu.memory_space<vmem_shared>>) target_semaphore(%arg13 : memref<!tpu.dma_semaphore, #tpu.memory_space<semaphore_mem>>)
    %mul3A_10 = arith.constant 80 : i32
    %mul3A_11 = arith.muli %add3A, %mul3A_10 : i32
    %dma_start3A_12 = arith.constant 0 : i32
    %dma_start3A_13 = arith.constant 0 : i32
    %dma_start3A_14 = tpu.memref_slice %arg3[%dma_start3A_12, %mul3A_11, %dma_start3A_13] : memref<2x2560x128xi32, #tpu.memory_space<hbm>> -> memref<1x80x128xi32, #tpu.memory_space<hbm>>
    %dma_start3A_15 = tpu.memref_squeeze %dma_start3A_14 : memref<1x80x128xi32, #tpu.memory_space<hbm>> -> memref<80x128xi32, #tpu.memory_space<hbm>>
    %dma_start3A_16 = arith.constant 0 : i32
    %dma_start3A_17 = tpu.memref_slice %arg3[%dma_start3A_12, %mul3A_11, %dma_start3A_16] : memref<2x2560x128xi32, #tpu.memory_space<hbm>> -> memref<1x80x128xi32, #tpu.memory_space<hbm>>
    %dma_start3A_18 = tpu.memref_squeeze %dma_start3A_17 : memref<1x80x128xi32, #tpu.memory_space<hbm>> -> memref<80x128xi32, #tpu.memory_space<hbm>>
    tpu.enqueue_dma source(%dma_start3A_18 : memref<80x128xi32, #tpu.memory_space<hbm>>) target(%arg6 : memref<80x128xi32, #tpu.memory_space<vmem>>) target_semaphore(%arg11 : memref<!tpu.dma_semaphore, #tpu.memory_space<semaphore_mem>>)
    %mul3A_19 = arith.constant 80 : i32
    %mul3A_20 = arith.muli %add3A, %mul3A_19 : i32
    %dma_start3A_21 = arith.constant 1 : i32
    %dma_start3A_22 = arith.constant 0 : i32
    %dma_start3A_23 = tpu.memref_slice %arg3[%dma_start3A_21, %mul3A_20, %dma_start3A_22] : memref<2x2560x128xi32, #tpu.memory_space<hbm>> -> memref<1x80x128xi32, #tpu.memory_space<hbm>>
    %dma_start3A_24 = tpu.memref_squeeze %dma_start3A_23 : memref<1x80x128xi32, #tpu.memory_space<hbm>> -> memref<80x128xi32, #tpu.memory_space<hbm>>
    %dma_start3A_25 = arith.constant 0 : i32
    %dma_start3A_26 = tpu.memref_slice %arg3[%dma_start3A_21, %mul3A_20, %dma_start3A_25] : memref<2x2560x128xi32, #tpu.memory_space<hbm>> -> memref<1x80x128xi32, #tpu.memory_space<hbm>>
    %dma_start3A_27 = tpu.memref_squeeze %dma_start3A_26 : memref<1x80x128xi32, #tpu.memory_space<hbm>> -> memref<80x128xi32, #tpu.memory_space<hbm>>
    tpu.enqueue_dma source(%dma_start3A_27 : memref<80x128xi32, #tpu.memory_space<hbm>>) target(%arg7 : memref<80x128xi32, #tpu.memory_space<vmem>>) target_semaphore(%arg12 : memref<!tpu.dma_semaphore, #tpu.memory_space<semaphore_mem>>)
    %dma_wait3A = arith.constant 0 : i32
    %dma_wait3A_28 = tpu.memref_slice %arg9[%mul3A_2, %dma_wait3A] : memref<10240x48xf32, #tpu.memory_space<vmem_shared>> -> memref<640x48xf32, #tpu.memory_space<vmem_shared>>
    tpu.wait_dma2 semaphore(%arg13 : memref<!tpu.dma_semaphore, #tpu.memory_space<semaphore_mem>>) src(%arg4 : memref<640x48xf32, #tpu.memory_space<hbm>>) dst(%dma_wait3A_28 : memref<640x48xf32, #tpu.memory_space<vmem_shared>>)
    %dma_wait3A_29 = arith.constant 0 : i32
    %dma_wait3A_30 = tpu.memref_slice %arg10[%mul3A_4, %dma_wait3A_29] : memref<10000x48xf32, #tpu.memory_space<vmem_shared>> -> memref<625x48xf32, #tpu.memory_space<vmem_shared>>
    %dma_wait3A_31 = arith.constant 0 : i32
    %dma_wait3A_32 = tpu.memref_slice %arg2[%mul3A_4, %dma_wait3A_31] : memref<10000x128xf32, #tpu.memory_space<hbm>> -> memref<625x48xf32, #tpu.memory_space<hbm>>
    tpu.wait_dma2 semaphore(%arg13 : memref<!tpu.dma_semaphore, #tpu.memory_space<semaphore_mem>>) src(%dma_wait3A_32 : memref<625x48xf32, #tpu.memory_space<hbm>>) dst(%dma_wait3A_30 : memref<625x48xf32, #tpu.memory_space<vmem_shared>>)
    %mul3A_33 = arith.constant 80 : i32
    %mul3A_34 = arith.muli %add3A, %mul3A_33 : i32
    %dma_wait3A_35 = arith.constant 0 : i32
    %dma_wait3A_36 = arith.constant 0 : i32
    %dma_wait3A_37 = tpu.memref_slice %arg3[%dma_wait3A_35, %mul3A_34, %dma_wait3A_36] : memref<2x2560x128xi32, #tpu.memory_space<hbm>> -> memref<1x80x128xi32, #tpu.memory_space<hbm>>
    %dma_wait3A_38 = tpu.memref_squeeze %dma_wait3A_37 : memref<1x80x128xi32, #tpu.memory_space<hbm>> -> memref<80x128xi32, #tpu.memory_space<hbm>>
    %dma_wait3A_39 = arith.constant 0 : i32
    %dma_wait3A_40 = tpu.memref_slice %arg3[%dma_wait3A_35, %mul3A_34, %dma_wait3A_39] : memref<2x2560x128xi32, #tpu.memory_space<hbm>> -> memref<1x80x128xi32, #tpu.memory_space<hbm>>
    %dma_wait3A_41 = tpu.memref_squeeze %dma_wait3A_40 : memref<1x80x128xi32, #tpu.memory_space<hbm>> -> memref<80x128xi32, #tpu.memory_space<hbm>>
    tpu.wait_dma2 semaphore(%arg11 : memref<!tpu.dma_semaphore, #tpu.memory_space<semaphore_mem>>) src(%dma_wait3A_41 : memref<80x128xi32, #tpu.memory_space<hbm>>) dst(%arg6 : memref<80x128xi32, #tpu.memory_space<vmem>>)
    %dma_wait3A_42 = arith.constant 1 : i32
    %dma_wait3A_43 = arith.constant 0 : i32
    %dma_wait3A_44 = tpu.memref_slice %arg3[%dma_wait3A_42, %mul3A_20, %dma_wait3A_43] : memref<2x2560x128xi32, #tpu.memory_space<hbm>> -> memref<1x80x128xi32, #tpu.memory_space<hbm>>
    %dma_wait3A_45 = tpu.memref_squeeze %dma_wait3A_44 : memref<1x80x128xi32, #tpu.memory_space<hbm>> -> memref<80x128xi32, #tpu.memory_space<hbm>>
    %dma_wait3A_46 = arith.constant 0 : i32
    %dma_wait3A_47 = tpu.memref_slice %arg3[%dma_wait3A_42, %mul3A_20, %dma_wait3A_46] : memref<2x2560x128xi32, #tpu.memory_space<hbm>> -> memref<1x80x128xi32, #tpu.memory_space<hbm>>
    %dma_wait3A_48 = tpu.memref_squeeze %dma_wait3A_47 : memref<1x80x128xi32, #tpu.memory_space<hbm>> -> memref<80x128xi32, #tpu.memory_space<hbm>>
    tpu.wait_dma2 semaphore(%arg12 : memref<!tpu.dma_semaphore, #tpu.memory_space<semaphore_mem>>) src(%dma_wait3A_48 : memref<80x128xi32, #tpu.memory_space<hbm>>) dst(%arg7 : memref<80x128xi32, #tpu.memory_space<vmem>>)
    %barrier3A = arith.constant 0 : index
    tpu.barrier barrier_id(%barrier3A)
    %dma_start3A_49 = arith.constant 0 : i32
    %dma_start3A_50 = arith.constant 0 : i32
    %dma_start3A_51 = arith.constant 0 : i32
    %dma_start3A_52 = arith.constant 0 : i32
    %dma_start3A_53 = tpu.memref_slice %arg8[%dma_start3A_50, %dma_start3A_51, %dma_start3A_52] : memref<2x128x48xf32, #tpu.memory_space<vmem>> -> memref<1x128x48xf32, #tpu.memory_space<vmem>>
    %dma_start3A_54 = tpu.memref_squeeze %dma_start3A_53 : memref<1x128x48xf32, #tpu.memory_space<vmem>> -> memref<128x48xf32, #tpu.memory_space<vmem>>
    %dma_start3A_55 = arith.constant 0 : i32
    %dma_start3A_56 = tpu.memref_slice %arg6[%dma_start3A_49, %dma_start3A_55] : memref<80x128xi32, #tpu.memory_space<vmem>> -> memref<1x128xi32, #tpu.memory_space<vmem>>
    %dma_start3A_57 = tpu.memref_squeeze %dma_start3A_56 : memref<1x128xi32, #tpu.memory_space<vmem>> -> memref<128xi32, #tpu.memory_space<vmem>>
    %dma_start3A_58 = arith.constant 0 : i32
    %dma_start3A_59 = arith.constant 0 : i32
    %dma_start3A_60 = tpu.memref_slice %arg10[%dma_start3A_58, %dma_start3A_59] : memref<10000x48xf32, #tpu.memory_space<vmem_shared>> -> memref<10000x48xf32, #tpu.memory_space<vmem_shared>>
    tpu.enqueue_indirect_dma source(%dma_start3A_60 : memref<10000x48xf32, #tpu.memory_space<vmem_shared>>) target(%dma_start3A_54 : memref<128x48xf32, #tpu.memory_space<vmem>>) offsets(%dma_start3A_57 : memref<128xi32, #tpu.memory_space<vmem>>) semaphore(%arg11 : memref<!tpu.dma_semaphore, #tpu.memory_space<semaphore_mem>>)
    %scan3A = arith.constant 0 : i32
    %scan3A_61 = arith.constant 0 : i32
    %scan3A_62 = arith.constant 39 : i32
    %scan3A_63 = arith.addi %scan3A_61, %scan3A_62 : i32
    %scan3A_64 = arith.constant 1 : i32
    scf.for %scan3A_108 = %scan3A_61 to %scan3A_63 step %scan3A_64  : i32 {
      %mul3A_109 = arith.constant 2 : i32
      %mul3A_110 = arith.muli %scan3A_108, %mul3A_109 : i32
      %dma_wait3A_111 = arith.constant 0 : i32
      %dma_wait3A_112 = arith.constant 0 : i32
      %dma_wait3A_113 = arith.constant 0 : i32
      %dma_wait3A_114 = tpu.memref_slice %arg8[%dma_wait3A_111, %dma_wait3A_112, %dma_wait3A_113] : memref<2x128x48xf32, #tpu.memory_space<vmem>> -> memref<1x128x48xf32, #tpu.memory_space<vmem>>
      %dma_wait3A_115 = tpu.memref_squeeze %dma_wait3A_114 : memref<1x128x48xf32, #tpu.memory_space<vmem>> -> memref<128x48xf32, #tpu.memory_space<vmem>>
      %dma_wait3A_116 = arith.constant 0 : i32
      %dma_wait3A_117 = tpu.memref_slice %arg6[%mul3A_110, %dma_wait3A_116] : memref<80x128xi32, #tpu.memory_space<vmem>> -> memref<1x128xi32, #tpu.memory_space<vmem>>
      %dma_wait3A_118 = tpu.memref_squeeze %dma_wait3A_117 : memref<1x128xi32, #tpu.memory_space<vmem>> -> memref<128xi32, #tpu.memory_space<vmem>>
      %dma_wait3A_119 = arith.constant 0 : i32
      %dma_wait3A_120 = arith.constant 0 : i32
      %dma_wait3A_121 = tpu.memref_slice %arg10[%dma_wait3A_119, %dma_wait3A_120] : memref<10000x48xf32, #tpu.memory_space<vmem_shared>> -> memref<10000x48xf32, #tpu.memory_space<vmem_shared>>
      tpu.wait_indirect_dma semaphore(%arg11 : memref<!tpu.dma_semaphore, #tpu.memory_space<semaphore_mem>>) src(%dma_wait3A_121 : memref<10000x48xf32, #tpu.memory_space<vmem_shared>>) dst(%dma_wait3A_115 : memref<128x48xf32, #tpu.memory_space<vmem>>)
      %add3A_122 = arith.constant 1 : i32
      %add3A_123 = arith.addi %mul3A_110, %add3A_122 : i32
      %dma_start3A_124 = arith.constant 1 : i32
      %dma_start3A_125 = arith.constant 0 : i32
      %dma_start3A_126 = arith.constant 0 : i32
      %dma_start3A_127 = tpu.memref_slice %arg8[%dma_start3A_124, %dma_start3A_125, %dma_start3A_126] : memref<2x128x48xf32, #tpu.memory_space<vmem>> -> memref<1x128x48xf32, #tpu.memory_space<vmem>>
      %dma_start3A_128 = tpu.memref_squeeze %dma_start3A_127 : memref<1x128x48xf32, #tpu.memory_space<vmem>> -> memref<128x48xf32, #tpu.memory_space<vmem>>
      %dma_start3A_129 = arith.constant 0 : i32
      %dma_start3A_130 = tpu.memref_slice %arg6[%add3A_123, %dma_start3A_129] : memref<80x128xi32, #tpu.memory_space<vmem>> -> memref<1x128xi32, #tpu.memory_space<vmem>>
      %dma_start3A_131 = tpu.memref_squeeze %dma_start3A_130 : memref<1x128xi32, #tpu.memory_space<vmem>> -> memref<128xi32, #tpu.memory_space<vmem>>
      %dma_start3A_132 = arith.constant 0 : i32
      %dma_start3A_133 = arith.constant 0 : i32
      %dma_start3A_134 = tpu.memref_slice %arg10[%dma_start3A_132, %dma_start3A_133] : memref<10000x48xf32, #tpu.memory_space<vmem_shared>> -> memref<10000x48xf32, #tpu.memory_space<vmem_shared>>
      tpu.enqueue_indirect_dma source(%dma_start3A_134 : memref<10000x48xf32, #tpu.memory_space<vmem_shared>>) target(%dma_start3A_128 : memref<128x48xf32, #tpu.memory_space<vmem>>) offsets(%dma_start3A_131 : memref<128xi32, #tpu.memory_space<vmem>>) semaphore(%arg12 : memref<!tpu.dma_semaphore, #tpu.memory_space<semaphore_mem>>)
      %run_scoped3A_135 = arith.constant 0 : i32
      "tpu.region"() ({
        %run_scoped3A_165 = tpu.sem_alloc : memref<!tpu.dma_semaphore, #tpu.memory_space<semaphore_mem>>
        %dma_start3A_166 = arith.constant 0 : i32
        %dma_start3A_167 = arith.constant 0 : i32
        %dma_start3A_168 = tpu.memref_slice %arg8[%run_scoped3A_135, %dma_start3A_166, %dma_start3A_167] : memref<2x128x48xf32, #tpu.memory_space<vmem>> -> memref<1x128x48xf32, #tpu.memory_space<vmem>>
        %dma_start3A_169 = tpu.memref_squeeze %dma_start3A_168 : memref<1x128x48xf32, #tpu.memory_space<vmem>> -> memref<128x48xf32, #tpu.memory_space<vmem>>
        %dma_start3A_170 = arith.constant 0 : i32
        %dma_start3A_171 = tpu.memref_slice %arg7[%mul3A_110, %dma_start3A_170] : memref<80x128xi32, #tpu.memory_space<vmem>> -> memref<1x128xi32, #tpu.memory_space<vmem>>
        %dma_start3A_172 = tpu.memref_squeeze %dma_start3A_171 : memref<1x128xi32, #tpu.memory_space<vmem>> -> memref<128xi32, #tpu.memory_space<vmem>>
        %dma_start3A_173 = arith.constant 0 : i32
        %dma_start3A_174 = arith.constant 0 : i32
        %dma_start3A_175 = tpu.memref_slice %arg9[%dma_start3A_173, %dma_start3A_174] : memref<10240x48xf32, #tpu.memory_space<vmem_shared>> -> memref<10240x48xf32, #tpu.memory_space<vmem_shared>>
        tpu.enqueue_indirect_dma source(%dma_start3A_169 : memref<128x48xf32, #tpu.memory_space<vmem>>) target(%dma_start3A_175 : memref<10240x48xf32, #tpu.memory_space<vmem_shared>>) offsets(%dma_start3A_172 : memref<128xi32, #tpu.memory_space<vmem>>) semaphore(%run_scoped3A_165 : memref<!tpu.dma_semaphore, #tpu.memory_space<semaphore_mem>>) {add = true}
        %dma_wait3A_176 = arith.constant 0 : i32
        %dma_wait3A_177 = arith.constant 0 : i32
        %dma_wait3A_178 = tpu.memref_slice %arg8[%run_scoped3A_135, %dma_wait3A_176, %dma_wait3A_177] : memref<2x128x48xf32, #tpu.memory_space<vmem>> -> memref<1x128x48xf32, #tpu.memory_space<vmem>>
        %dma_wait3A_179 = tpu.memref_squeeze %dma_wait3A_178 : memref<1x128x48xf32, #tpu.memory_space<vmem>> -> memref<128x48xf32, #tpu.memory_space<vmem>>
        %dma_wait3A_180 = arith.constant 0 : i32
        %dma_wait3A_181 = tpu.memref_slice %arg7[%mul3A_110, %dma_wait3A_180] : memref<80x128xi32, #tpu.memory_space<vmem>> -> memref<1x128xi32, #tpu.memory_space<vmem>>
        %dma_wait3A_182 = tpu.memref_squeeze %dma_wait3A_181 : memref<1x128xi32, #tpu.memory_space<vmem>> -> memref<128xi32, #tpu.memory_space<vmem>>
        %dma_wait3A_183 = arith.constant 0 : i32
        %dma_wait3A_184 = arith.constant 0 : i32
        %dma_wait3A_185 = tpu.memref_slice %arg9[%dma_wait3A_183, %dma_wait3A_184] : memref<10240x48xf32, #tpu.memory_space<vmem_shared>> -> memref<10240x48xf32, #tpu.memory_space<vmem_shared>>
        tpu.wait_indirect_dma semaphore(%run_scoped3A_165 : memref<!tpu.dma_semaphore, #tpu.memory_space<semaphore_mem>>) src(%dma_wait3A_179 : memref<128x48xf32, #tpu.memory_space<vmem>>) dst(%dma_wait3A_185 : memref<10240x48xf32, #tpu.memory_space<vmem_shared>>)
        tpu.yield
      }) : () -> ()
      %mul3A_136 = arith.constant 2 : i32
      %mul3A_137 = arith.muli %scan3A_108, %mul3A_136 : i32
      %add3A_138 = arith.constant 1 : i32
      %add3A_139 = arith.addi %mul3A_137, %add3A_138 : i32
      %dma_wait3A_140 = arith.constant 1 : i32
      %dma_wait3A_141 = arith.constant 0 : i32
      %dma_wait3A_142 = arith.constant 0 : i32
      %dma_wait3A_143 = tpu.memref_slice %arg8[%dma_wait3A_140, %dma_wait3A_141, %dma_wait3A_142] : memref<2x128x48xf32, #tpu.memory_space<vmem>> -> memref<1x128x48xf32, #tpu.memory_space<vmem>>
      %dma_wait3A_144 = tpu.memref_squeeze %dma_wait3A_143 : memref<1x128x48xf32, #tpu.memory_space<vmem>> -> memref<128x48xf32, #tpu.memory_space<vmem>>
      %dma_wait3A_145 = arith.constant 0 : i32
      %dma_wait3A_146 = tpu.memref_slice %arg6[%add3A_139, %dma_wait3A_145] : memref<80x128xi32, #tpu.memory_space<vmem>> -> memref<1x128xi32, #tpu.memory_space<vmem>>
      %dma_wait3A_147 = tpu.memref_squeeze %dma_wait3A_146 : memref<1x128xi32, #tpu.memory_space<vmem>> -> memref<128xi32, #tpu.memory_space<vmem>>
      %dma_wait3A_148 = arith.constant 0 : i32
      %dma_wait3A_149 = arith.constant 0 : i32
      %dma_wait3A_150 = tpu.memref_slice %arg10[%dma_wait3A_148, %dma_wait3A_149] : memref<10000x48xf32, #tpu.memory_space<vmem_shared>> -> memref<10000x48xf32, #tpu.memory_space<vmem_shared>>
      tpu.wait_indirect_dma semaphore(%arg12 : memref<!tpu.dma_semaphore, #tpu.memory_space<semaphore_mem>>) src(%dma_wait3A_150 : memref<10000x48xf32, #tpu.memory_space<vmem_shared>>) dst(%dma_wait3A_144 : memref<128x48xf32, #tpu.memory_space<vmem>>)
      %add3A_151 = arith.constant 1 : i32
      %add3A_152 = arith.addi %add3A_139, %add3A_151 : i32
      %dma_start3A_153 = arith.constant 0 : i32
      %dma_start3A_154 = arith.constant 0 : i32
      %dma_start3A_155 = arith.constant 0 : i32
      %dma_start3A_156 = tpu.memref_slice %arg8[%dma_start3A_153, %dma_start3A_154, %dma_start3A_155] : memref<2x128x48xf32, #tpu.memory_space<vmem>> -> memref<1x128x48xf32, #tpu.memory_space<vmem>>
      %dma_start3A_157 = tpu.memref_squeeze %dma_start3A_156 : memref<1x128x48xf32, #tpu.memory_space<vmem>> -> memref<128x48xf32, #tpu.memory_space<vmem>>
      %dma_start3A_158 = arith.constant 0 : i32
      %dma_start3A_159 = tpu.memref_slice %arg6[%add3A_152, %dma_start3A_158] : memref<80x128xi32, #tpu.memory_space<vmem>> -> memref<1x128xi32, #tpu.memory_space<vmem>>
      %dma_start3A_160 = tpu.memref_squeeze %dma_start3A_159 : memref<1x128xi32, #tpu.memory_space<vmem>> -> memref<128xi32, #tpu.memory_space<vmem>>
      %dma_start3A_161 = arith.constant 0 : i32
      %dma_start3A_162 = arith.constant 0 : i32
      %dma_start3A_163 = tpu.memref_slice %arg10[%dma_start3A_161, %dma_start3A_162] : memref<10000x48xf32, #tpu.memory_space<vmem_shared>> -> memref<10000x48xf32, #tpu.memory_space<vmem_shared>>
      tpu.enqueue_indirect_dma source(%dma_start3A_163 : memref<10000x48xf32, #tpu.memory_space<vmem_shared>>) target(%dma_start3A_157 : memref<128x48xf32, #tpu.memory_space<vmem>>) offsets(%dma_start3A_160 : memref<128xi32, #tpu.memory_space<vmem>>) semaphore(%arg11 : memref<!tpu.dma_semaphore, #tpu.memory_space<semaphore_mem>>)
      %run_scoped3A_164 = arith.constant 1 : i32
      "tpu.region"() ({
        %run_scoped3A_165 = tpu.sem_alloc : memref<!tpu.dma_semaphore, #tpu.memory_space<semaphore_mem>>
        %dma_start3A_166 = arith.constant 0 : i32
        %dma_start3A_167 = arith.constant 0 : i32
        %dma_start3A_168 = tpu.memref_slice %arg8[%run_scoped3A_164, %dma_start3A_166, %dma_start3A_167] : memref<2x128x48xf32, #tpu.memory_space<vmem>> -> memref<1x128x48xf32, #tpu.memory_space<vmem>>
        %dma_start3A_169 = tpu.memref_squeeze %dma_start3A_168 : memref<1x128x48xf32, #tpu.memory_space<vmem>> -> memref<128x48xf32, #tpu.memory_space<vmem>>
        %dma_start3A_170 = arith.constant 0 : i32
        %dma_start3A_171 = tpu.memref_slice %arg7[%add3A_139, %dma_start3A_170] : memref<80x128xi32, #tpu.memory_space<vmem>> -> memref<1x128xi32, #tpu.memory_space<vmem>>
        %dma_start3A_172 = tpu.memref_squeeze %dma_start3A_171 : memref<1x128xi32, #tpu.memory_space<vmem>> -> memref<128xi32, #tpu.memory_space<vmem>>
        %dma_start3A_173 = arith.constant 0 : i32
        %dma_start3A_174 = arith.constant 0 : i32
        %dma_start3A_175 = tpu.memref_slice %arg9[%dma_start3A_173, %dma_start3A_174] : memref<10240x48xf32, #tpu.memory_space<vmem_shared>> -> memref<10240x48xf32, #tpu.memory_space<vmem_shared>>
        tpu.enqueue_indirect_dma source(%dma_start3A_169 : memref<128x48xf32, #tpu.memory_space<vmem>>) target(%dma_start3A_175 : memref<10240x48xf32, #tpu.memory_space<vmem_shared>>) offsets(%dma_start3A_172 : memref<128xi32, #tpu.memory_space<vmem>>) semaphore(%run_scoped3A_165 : memref<!tpu.dma_semaphore, #tpu.memory_space<semaphore_mem>>) {add = true}
        %dma_wait3A_176 = arith.constant 0 : i32
        %dma_wait3A_177 = arith.constant 0 : i32
        %dma_wait3A_178 = tpu.memref_slice %arg8[%run_scoped3A_164, %dma_wait3A_176, %dma_wait3A_177] : memref<2x128x48xf32, #tpu.memory_space<vmem>> -> memref<1x128x48xf32, #tpu.memory_space<vmem>>
        %dma_wait3A_179 = tpu.memref_squeeze %dma_wait3A_178 : memref<1x128x48xf32, #tpu.memory_space<vmem>> -> memref<128x48xf32, #tpu.memory_space<vmem>>
        %dma_wait3A_180 = arith.constant 0 : i32
        %dma_wait3A_181 = tpu.memref_slice %arg7[%add3A_139, %dma_wait3A_180] : memref<80x128xi32, #tpu.memory_space<vmem>> -> memref<1x128xi32, #tpu.memory_space<vmem>>
        %dma_wait3A_182 = tpu.memref_squeeze %dma_wait3A_181 : memref<1x128xi32, #tpu.memory_space<vmem>> -> memref<128xi32, #tpu.memory_space<vmem>>
        %dma_wait3A_183 = arith.constant 0 : i32
        %dma_wait3A_184 = arith.constant 0 : i32
        %dma_wait3A_185 = tpu.memref_slice %arg9[%dma_wait3A_183, %dma_wait3A_184] : memref<10240x48xf32, #tpu.memory_space<vmem_shared>> -> memref<10240x48xf32, #tpu.memory_space<vmem_shared>>
        tpu.wait_indirect_dma semaphore(%run_scoped3A_165 : memref<!tpu.dma_semaphore, #tpu.memory_space<semaphore_mem>>) src(%dma_wait3A_179 : memref<128x48xf32, #tpu.memory_space<vmem>>) dst(%dma_wait3A_185 : memref<10240x48xf32, #tpu.memory_space<vmem_shared>>)
        tpu.yield
      }) : () -> ()
    }
    %scan3A_65 = arith.constant 39 : i32
    %dma_wait3A_66 = arith.constant 78 : i32
    %dma_wait3A_67 = arith.constant 0 : i32
    %dma_wait3A_68 = arith.constant 0 : i32
    %dma_wait3A_69 = arith.constant 0 : i32
    %dma_wait3A_70 = tpu.memref_slice %arg8[%dma_wait3A_67, %dma_wait3A_68, %dma_wait3A_69] : memref<2x128x48xf32, #tpu.memory_space<vmem>> -> memref<1x128x48xf32, #tpu.memory_space<vmem>>
    %dma_wait3A_71 = tpu.memref_squeeze %dma_wait3A_70 : memref<1x128x48xf32, #tpu.memory_space<vmem>> -> memref<128x48xf32, #tpu.memory_space<vmem>>
    %dma_wait3A_72 = arith.constant 0 : i32
    %dma_wait3A_73 = tpu.memref_slice %arg6[%dma_wait3A_66, %dma_wait3A_72] : memref<80x128xi32, #tpu.memory_space<vmem>> -> memref<1x128xi32, #tpu.memory_space<vmem>>
    %dma_wait3A_74 = tpu.memref_squeeze %dma_wait3A_73 : memref<1x128xi32, #tpu.memory_space<vmem>> -> memref<128xi32, #tpu.memory_space<vmem>>
    %dma_wait3A_75 = arith.constant 0 : i32
    %dma_wait3A_76 = arith.constant 0 : i32
    %dma_wait3A_77 = tpu.memref_slice %arg10[%dma_wait3A_75, %dma_wait3A_76] : memref<10000x48xf32, #tpu.memory_space<vmem_shared>> -> memref<10000x48xf32, #tpu.memory_space<vmem_shared>>
    tpu.wait_indirect_dma semaphore(%arg11 : memref<!tpu.dma_semaphore, #tpu.memory_space<semaphore_mem>>) src(%dma_wait3A_77 : memref<10000x48xf32, #tpu.memory_space<vmem_shared>>) dst(%dma_wait3A_71 : memref<128x48xf32, #tpu.memory_space<vmem>>)
    %dma_start3A_78 = arith.constant 79 : i32
    %dma_start3A_79 = arith.constant 1 : i32
    %dma_start3A_80 = arith.constant 0 : i32
    %dma_start3A_81 = arith.constant 0 : i32
    %dma_start3A_82 = tpu.memref_slice %arg8[%dma_start3A_79, %dma_start3A_80, %dma_start3A_81] : memref<2x128x48xf32, #tpu.memory_space<vmem>> -> memref<1x128x48xf32, #tpu.memory_space<vmem>>
    %dma_start3A_83 = tpu.memref_squeeze %dma_start3A_82 : memref<1x128x48xf32, #tpu.memory_space<vmem>> -> memref<128x48xf32, #tpu.memory_space<vmem>>
    %dma_start3A_84 = arith.constant 0 : i32
    %dma_start3A_85 = tpu.memref_slice %arg6[%dma_start3A_78, %dma_start3A_84] : memref<80x128xi32, #tpu.memory_space<vmem>> -> memref<1x128xi32, #tpu.memory_space<vmem>>
    %dma_start3A_86 = tpu.memref_squeeze %dma_start3A_85 : memref<1x128xi32, #tpu.memory_space<vmem>> -> memref<128xi32, #tpu.memory_space<vmem>>
    %dma_start3A_87 = arith.constant 0 : i32
    %dma_start3A_88 = arith.constant 0 : i32
    %dma_start3A_89 = tpu.memref_slice %arg10[%dma_start3A_87, %dma_start3A_88] : memref<10000x48xf32, #tpu.memory_space<vmem_shared>> -> memref<10000x48xf32, #tpu.memory_space<vmem_shared>>
    tpu.enqueue_indirect_dma source(%dma_start3A_89 : memref<10000x48xf32, #tpu.memory_space<vmem_shared>>) target(%dma_start3A_83 : memref<128x48xf32, #tpu.memory_space<vmem>>) offsets(%dma_start3A_86 : memref<128xi32, #tpu.memory_space<vmem>>) semaphore(%arg12 : memref<!tpu.dma_semaphore, #tpu.memory_space<semaphore_mem>>)
    %run_scoped3A = arith.constant 0 : i32
    %run_scoped3A_90 = arith.constant 78 : i32
    "tpu.region"() ({
      %run_scoped3A_108 = tpu.sem_alloc : memref<!tpu.dma_semaphore, #tpu.memory_space<semaphore_mem>>
      %dma_start3A_109 = arith.constant 0 : i32
      %dma_start3A_110 = arith.constant 0 : i32
      %dma_start3A_111 = tpu.memref_slice %arg8[%run_scoped3A, %dma_start3A_109, %dma_start3A_110] : memref<2x128x48xf32, #tpu.memory_space<vmem>> -> memref<1x128x48xf32, #tpu.memory_space<vmem>>
      %dma_start3A_112 = tpu.memref_squeeze %dma_start3A_111 : memref<1x128x48xf32, #tpu.memory_space<vmem>> -> memref<128x48xf32, #tpu.memory_space<vmem>>
      %dma_start3A_113 = arith.constant 0 : i32
      %dma_start3A_114 = tpu.memref_slice %arg7[%run_scoped3A_90, %dma_start3A_113] : memref<80x128xi32, #tpu.memory_space<vmem>> -> memref<1x128xi32, #tpu.memory_space<vmem>>
      %dma_start3A_115 = tpu.memref_squeeze %dma_start3A_114 : memref<1x128xi32, #tpu.memory_space<vmem>> -> memref<128xi32, #tpu.memory_space<vmem>>
      %dma_start3A_116 = arith.constant 0 : i32
      %dma_start3A_117 = arith.constant 0 : i32
      %dma_start3A_118 = tpu.memref_slice %arg9[%dma_start3A_116, %dma_start3A_117] : memref<10240x48xf32, #tpu.memory_space<vmem_shared>> -> memref<10240x48xf32, #tpu.memory_space<vmem_shared>>
      tpu.enqueue_indirect_dma source(%dma_start3A_112 : memref<128x48xf32, #tpu.memory_space<vmem>>) target(%dma_start3A_118 : memref<10240x48xf32, #tpu.memory_space<vmem_shared>>) offsets(%dma_start3A_115 : memref<128xi32, #tpu.memory_space<vmem>>) semaphore(%run_scoped3A_108 : memref<!tpu.dma_semaphore, #tpu.memory_space<semaphore_mem>>) {add = true}
      %dma_wait3A_119 = arith.constant 0 : i32
      %dma_wait3A_120 = arith.constant 0 : i32
      %dma_wait3A_121 = tpu.memref_slice %arg8[%run_scoped3A, %dma_wait3A_119, %dma_wait3A_120] : memref<2x128x48xf32, #tpu.memory_space<vmem>> -> memref<1x128x48xf32, #tpu.memory_space<vmem>>
      %dma_wait3A_122 = tpu.memref_squeeze %dma_wait3A_121 : memref<1x128x48xf32, #tpu.memory_space<vmem>> -> memref<128x48xf32, #tpu.memory_space<vmem>>
      %dma_wait3A_123 = arith.constant 0 : i32
      %dma_wait3A_124 = tpu.memref_slice %arg7[%run_scoped3A_90, %dma_wait3A_123] : memref<80x128xi32, #tpu.memory_space<vmem>> -> memref<1x128xi32, #tpu.memory_space<vmem>>
      %dma_wait3A_125 = tpu.memref_squeeze %dma_wait3A_124 : memref<1x128xi32, #tpu.memory_space<vmem>> -> memref<128xi32, #tpu.memory_space<vmem>>
      %dma_wait3A_126 = arith.constant 0 : i32
      %dma_wait3A_127 = arith.constant 0 : i32
      %dma_wait3A_128 = tpu.memref_slice %arg9[%dma_wait3A_126, %dma_wait3A_127] : memref<10240x48xf32, #tpu.memory_space<vmem_shared>> -> memref<10240x48xf32, #tpu.memory_space<vmem_shared>>
      tpu.wait_indirect_dma semaphore(%run_scoped3A_108 : memref<!tpu.dma_semaphore, #tpu.memory_space<semaphore_mem>>) src(%dma_wait3A_122 : memref<128x48xf32, #tpu.memory_space<vmem>>) dst(%dma_wait3A_128 : memref<10240x48xf32, #tpu.memory_space<vmem_shared>>)
      tpu.yield
    }) : () -> ()
    %dma_wait3A_91 = arith.constant 79 : i32
    %dma_wait3A_92 = arith.constant 1 : i32
    %dma_wait3A_93 = arith.constant 0 : i32
    %dma_wait3A_94 = arith.constant 0 : i32
    %dma_wait3A_95 = tpu.memref_slice %arg8[%dma_wait3A_92, %dma_wait3A_93, %dma_wait3A_94] : memref<2x128x48xf32, #tpu.memory_space<vmem>> -> memref<1x128x48xf32, #tpu.memory_space<vmem>>
    %dma_wait3A_96 = tpu.memref_squeeze %dma_wait3A_95 : memref<1x128x48xf32, #tpu.memory_space<vmem>> -> memref<128x48xf32, #tpu.memory_space<vmem>>
    %dma_wait3A_97 = arith.constant 0 : i32
    %dma_wait3A_98 = tpu.memref_slice %arg6[%dma_wait3A_91, %dma_wait3A_97] : memref<80x128xi32, #tpu.memory_space<vmem>> -> memref<1x128xi32, #tpu.memory_space<vmem>>
    %dma_wait3A_99 = tpu.memref_squeeze %dma_wait3A_98 : memref<1x128xi32, #tpu.memory_space<vmem>> -> memref<128xi32, #tpu.memory_space<vmem>>
    %dma_wait3A_100 = arith.constant 0 : i32
    %dma_wait3A_101 = arith.constant 0 : i32
    %dma_wait3A_102 = tpu.memref_slice %arg10[%dma_wait3A_100, %dma_wait3A_101] : memref<10000x48xf32, #tpu.memory_space<vmem_shared>> -> memref<10000x48xf32, #tpu.memory_space<vmem_shared>>
    tpu.wait_indirect_dma semaphore(%arg12 : memref<!tpu.dma_semaphore, #tpu.memory_space<semaphore_mem>>) src(%dma_wait3A_102 : memref<10000x48xf32, #tpu.memory_space<vmem_shared>>) dst(%dma_wait3A_96 : memref<128x48xf32, #tpu.memory_space<vmem>>)
    %run_scoped3A_103 = arith.constant 1 : i32
    %run_scoped3A_104 = arith.constant 79 : i32
    "tpu.region"() ({
      %run_scoped3A_108 = tpu.sem_alloc : memref<!tpu.dma_semaphore, #tpu.memory_space<semaphore_mem>>
      %dma_start3A_109 = arith.constant 0 : i32
      %dma_start3A_110 = arith.constant 0 : i32
      %dma_start3A_111 = tpu.memref_slice %arg8[%run_scoped3A_103, %dma_start3A_109, %dma_start3A_110] : memref<2x128x48xf32, #tpu.memory_space<vmem>> -> memref<1x128x48xf32, #tpu.memory_space<vmem>>
      %dma_start3A_112 = tpu.memref_squeeze %dma_start3A_111 : memref<1x128x48xf32, #tpu.memory_space<vmem>> -> memref<128x48xf32, #tpu.memory_space<vmem>>
      %dma_start3A_113 = arith.constant 0 : i32
      %dma_start3A_114 = tpu.memref_slice %arg7[%run_scoped3A_104, %dma_start3A_113] : memref<80x128xi32, #tpu.memory_space<vmem>> -> memref<1x128xi32, #tpu.memory_space<vmem>>
      %dma_start3A_115 = tpu.memref_squeeze %dma_start3A_114 : memref<1x128xi32, #tpu.memory_space<vmem>> -> memref<128xi32, #tpu.memory_space<vmem>>
      %dma_start3A_116 = arith.constant 0 : i32
      %dma_start3A_117 = arith.constant 0 : i32
      %dma_start3A_118 = tpu.memref_slice %arg9[%dma_start3A_116, %dma_start3A_117] : memref<10240x48xf32, #tpu.memory_space<vmem_shared>> -> memref<10240x48xf32, #tpu.memory_space<vmem_shared>>
      tpu.enqueue_indirect_dma source(%dma_start3A_112 : memref<128x48xf32, #tpu.memory_space<vmem>>) target(%dma_start3A_118 : memref<10240x48xf32, #tpu.memory_space<vmem_shared>>) offsets(%dma_start3A_115 : memref<128xi32, #tpu.memory_space<vmem>>) semaphore(%run_scoped3A_108 : memref<!tpu.dma_semaphore, #tpu.memory_space<semaphore_mem>>) {add = true}
      %dma_wait3A_119 = arith.constant 0 : i32
      %dma_wait3A_120 = arith.constant 0 : i32
      %dma_wait3A_121 = tpu.memref_slice %arg8[%run_scoped3A_103, %dma_wait3A_119, %dma_wait3A_120] : memref<2x128x48xf32, #tpu.memory_space<vmem>> -> memref<1x128x48xf32, #tpu.memory_space<vmem>>
      %dma_wait3A_122 = tpu.memref_squeeze %dma_wait3A_121 : memref<1x128x48xf32, #tpu.memory_space<vmem>> -> memref<128x48xf32, #tpu.memory_space<vmem>>
      %dma_wait3A_123 = arith.constant 0 : i32
      %dma_wait3A_124 = tpu.memref_slice %arg7[%run_scoped3A_104, %dma_wait3A_123] : memref<80x128xi32, #tpu.memory_space<vmem>> -> memref<1x128xi32, #tpu.memory_space<vmem>>
      %dma_wait3A_125 = tpu.memref_squeeze %dma_wait3A_124 : memref<1x128xi32, #tpu.memory_space<vmem>> -> memref<128xi32, #tpu.memory_space<vmem>>
      %dma_wait3A_126 = arith.constant 0 : i32
      %dma_wait3A_127 = arith.constant 0 : i32
      %dma_wait3A_128 = tpu.memref_slice %arg9[%dma_wait3A_126, %dma_wait3A_127] : memref<10240x48xf32, #tpu.memory_space<vmem_shared>> -> memref<10240x48xf32, #tpu.memory_space<vmem_shared>>
      tpu.wait_indirect_dma semaphore(%run_scoped3A_108 : memref<!tpu.dma_semaphore, #tpu.memory_space<semaphore_mem>>) src(%dma_wait3A_122 : memref<128x48xf32, #tpu.memory_space<vmem>>) dst(%dma_wait3A_128 : memref<10240x48xf32, #tpu.memory_space<vmem_shared>>)
      tpu.yield
    }) : () -> ()
    %barrier3A_105 = arith.constant 0 : index
    tpu.barrier barrier_id(%barrier3A_105)
    %mul3A_106 = arith.constant 64 : i32
    %mul3A_107 = arith.muli %arg0, %mul3A_106 : i32
    "tpu.region"() ({
      %run_scoped3A_108 = tpu.sem_alloc : memref<!tpu.dma_semaphore, #tpu.memory_space<semaphore_mem>>
      %dma_start3A_109 = tpu.memref_slice %arg5[%mul3A_2, %mul3A_107] : memref<10240x128xf32, #tpu.memory_space<hbm>> -> memref<640x48xf32, #tpu.memory_space<hbm>>
      %dma_start3A_110 = arith.constant 0 : i32
      %dma_start3A_111 = tpu.memref_slice %arg9[%mul3A_2, %dma_start3A_110] : memref<10240x48xf32, #tpu.memory_space<vmem_shared>> -> memref<640x48xf32, #tpu.memory_space<vmem_shared>>
      tpu.enqueue_dma source(%dma_start3A_111 : memref<640x48xf32, #tpu.memory_space<vmem_shared>>) target(%dma_start3A_109 : memref<640x48xf32, #tpu.memory_space<hbm>>) target_semaphore(%run_scoped3A_108 : memref<!tpu.dma_semaphore, #tpu.memory_space<semaphore_mem>>)
      %dma_wait3A_112 = tpu.memref_slice %arg5[%mul3A_2, %mul3A_107] : memref<10240x128xf32, #tpu.memory_space<hbm>> -> memref<640x48xf32, #tpu.memory_space<hbm>>
      %dma_wait3A_113 = arith.constant 0 : i32
      %dma_wait3A_114 = tpu.memref_slice %arg9[%mul3A_2, %dma_wait3A_113] : memref<10240x48xf32, #tpu.memory_space<vmem_shared>> -> memref<640x48xf32, #tpu.memory_space<vmem_shared>>
      tpu.wait_dma2 semaphore(%run_scoped3A_108 : memref<!tpu.dma_semaphore, #tpu.memory_space<semaphore_mem>>) src(%dma_wait3A_114 : memref<640x48xf32, #tpu.memory_space<vmem_shared>>) dst(%dma_wait3A_112 : memref<640x48xf32, #tpu.memory_space<hbm>>)
      tpu.yield
    }) : () -> ()
    return
  }
}

module attributes {stable_mosaic.version = 14 : i64} {
  func.func @_tc1_body(%arg0: i32, %arg1: memref<2000x128xf32, #tpu.memory_space<vmem>>, %arg2: memref<2x64000xi32, #tpu.memory_space<vmem>>, %arg3: memref<128x128xf32, #tpu.memory_space<vmem>>, %arg4: memref<1x128xf32, #tpu.memory_space<vmem>>, %arg5: memref<2000x128xf32, #tpu.memory_space<vmem>>, %arg6: memref<2x512x128xi32, #tpu.memory_space<vmem>>) attributes {dimension_semantics = [#tpu.dimension_semantics<arbitrary>], iteration_bounds = array<i64: 5>, scalar_prefetch = 0 : i64, scratch_operands = 0 : i64, tpu.core_type = #tpu.core_type<tc>, window_params = [{transform_indices = @transform_0, window_bounds = array<i64: 2000, 128>}, {transform_indices = @transform_1, window_bounds = array<i64: 2, 64000>}, {pipeline_mode = #tpu.pipeline_mode<synchronous>, transform_indices = @transform_2, window_bounds = array<i64: 128, 128>}, {pipeline_mode = #tpu.pipeline_mode<synchronous>, transform_indices = @transform_3, window_bounds = array<i64: 1, 128>}, {transform_indices = @transform_4, window_bounds = array<i64: 2000, 128>}, {transform_indices = @transform_5, window_bounds = array<i64: 2, 512, 128>}]} {
    %get3A = arith.constant 0 : index
    %get3A_0 = arith.constant 0 : index
    %get3A_1 = vector.load %arg1[%get3A, %get3A_0] : memref<2000x128xf32, #tpu.memory_space<vmem>>, vector<2000x128xf32>
    %get3A_2 = arith.constant 0 : index
    %get3A_3 = arith.constant 0 : index
    %get3A_4 = vector.load %arg3[%get3A_2, %get3A_3] : memref<128x128xf32, #tpu.memory_space<vmem>>, vector<128x128xf32>
    %dot_general3A = arith.constant dense<0.000000e+00> : vector<2000x128xf32>
    %dot_general3A_5 = tpu.matmul %get3A_1, %get3A_4, %dot_general3A {dimension_numbers = #tpu.dot_dimension_numbers<[1], [0], [0], [1], [0, 0, 1, 1], [], []>, transpose_lhs_hint = false} : vector<2000x128xf32>, vector<128x128xf32>, vector<2000x128xf32> -> vector<2000x128xf32>
    %get3A_6 = arith.constant 0 : index
    %get3A_7 = arith.constant 0 : index
    %get3A_8 = vector.load %arg4[%get3A_6, %get3A_7] : memref<1x128xf32, #tpu.memory_space<vmem>>, vector<1x128xf32>
    %add3A = vector.broadcast %get3A_8 : vector<1x128xf32> to vector<2000x128xf32>
    %add3A_9 = arith.addf %dot_general3A_5, %add3A : vector<2000x128xf32>
    %swap3A = arith.constant 0 : index
    %swap3A_10 = arith.constant 0 : index
    %swap3A_11 = vector.load %arg5[%swap3A, %swap3A_10] : memref<2000x128xf32, #tpu.memory_space<vmem>>, vector<2000x128xf32>
    tpu.vector_store %arg5[%swap3A, %swap3A_10], %add3A_9 {strides = array<i32>} : memref<2000x128xf32, #tpu.memory_space<vmem>>, vector<2000x128xf32>,
    %get3A_12 = arith.constant 0 : index
    %get3A_13 = arith.constant 0 : index
    %get3A_14 = vector.load %arg2[%get3A_12, %get3A_13] : memref<2x64000xi32, #tpu.memory_space<vmem>>, vector<2x64000xi32>
    %reshape3A = vector.shape_cast %get3A_14 : vector<2x64000xi32> to vector<2x500x128xi32>
    %swap3A_15 = arith.constant 0 : index
    %swap3A_16 = arith.constant 0 : index
    %swap3A_17 = arith.constant 0 : index
    %swap3A_18 = vector.load %arg6[%swap3A_15, %swap3A_16, %swap3A_17] : memref<2x512x128xi32, #tpu.memory_space<vmem>>, vector<2x500x128xi32>
    tpu.vector_store %arg6[%swap3A_15, %swap3A_16, %swap3A_17], %reshape3A {strides = array<i32>} : memref<2x512x128xi32, #tpu.memory_space<vmem>>, vector<2x500x128xi32>,
    %broadcast_in_dim3A = arith.constant 0 : i32
    %broadcast_in_dim3A_19 = vector.broadcast %broadcast_in_dim3A : i32 to vector<12x128xi32>
    %swap3A_20 = arith.constant 0 : index
    %swap3A_21 = arith.constant 500 : index
    %swap3A_22 = arith.constant 0 : index
    %swap3A_23 = vector.load %arg6[%swap3A_20, %swap3A_21, %swap3A_22] : memref<2x512x128xi32, #tpu.memory_space<vmem>>, vector<1x12x128xi32>
    %swap3A_24 = vector.shape_cast %swap3A_23 : vector<1x12x128xi32> to vector<12x128xi32>
    %swap3A_25 = vector.shape_cast %broadcast_in_dim3A_19 : vector<12x128xi32> to vector<1x12x128xi32>
    tpu.vector_store %arg6[%swap3A_20, %swap3A_21, %swap3A_22], %swap3A_25 {strides = array<i32>} : memref<2x512x128xi32, #tpu.memory_space<vmem>>, vector<1x12x128xi32>,
    %broadcast_in_dim3A_26 = arith.constant 10000 : i32
    %broadcast_in_dim3A_27 = vector.broadcast %broadcast_in_dim3A_26 : i32 to vector<12x128xi32>
    %swap3A_28 = arith.constant 1 : index
    %swap3A_29 = arith.constant 500 : index
    %swap3A_30 = arith.constant 0 : index
    %swap3A_31 = vector.load %arg6[%swap3A_28, %swap3A_29, %swap3A_30] : memref<2x512x128xi32, #tpu.memory_space<vmem>>, vector<1x12x128xi32>
    %swap3A_32 = vector.shape_cast %swap3A_31 : vector<1x12x128xi32> to vector<12x128xi32>
    %swap3A_33 = vector.shape_cast %broadcast_in_dim3A_27 : vector<12x128xi32> to vector<1x12x128xi32>
    tpu.vector_store %arg6[%swap3A_28, %swap3A_29, %swap3A_30], %swap3A_33 {strides = array<i32>} : memref<2x512x128xi32, #tpu.memory_space<vmem>>, vector<1x12x128xi32>,
    return
  }
  func.func @transform_0(%arg0: i32) -> (i32, i32) {
    %c0_i32 = arith.constant 0 : i32
    %c0_i32_0 = arith.constant 0 : i32
    return %arg0, %c0_i32 : i32, i32
  }
  func.func @transform_1(%arg0: i32) -> (i32, i32) {
    %c0_i32 = arith.constant 0 : i32
    %c0_i32_0 = arith.constant 0 : i32
    return %c0_i32, %arg0 : i32, i32
  }
  func.func @transform_2(%arg0: i32) -> (i32, i32) {
    %c0_i32 = arith.constant 0 : i32
    %c0_i32_0 = arith.constant 0 : i32
    %c0_i32_1 = arith.constant 0 : i32
    return %c0_i32, %c0_i32_0 : i32, i32
  }
  func.func @transform_3(%arg0: i32) -> (i32, i32) {
    %c0_i32 = arith.constant 0 : i32
    %c0_i32_0 = arith.constant 0 : i32
    %c0_i32_1 = arith.constant 0 : i32
    return %c0_i32, %c0_i32_0 : i32, i32
  }
  func.func @transform_4(%arg0: i32) -> (i32, i32) {
    %c0_i32 = arith.constant 0 : i32
    %c0_i32_0 = arith.constant 0 : i32
    return %arg0, %c0_i32 : i32, i32
  }
  func.func @transform_5(%arg0: i32) -> (i32, i32, i32) {
    %c0_i32 = arith.constant 0 : i32
    %c0_i32_0 = arith.constant 0 : i32
    %c0_i32_1 = arith.constant 0 : i32
    return %c0_i32, %arg0, %c0_i32_0 : i32, i32, i32
  }
}

module attributes {stable_mosaic.version = 14 : i64} {
  func.func @_tc3_body(%arg0: i32, %arg1: memref<2000x128xf32, #tpu.memory_space<vmem>>, %arg2: memref<2000x32xf32, #tpu.memory_space<vmem>>, %arg3: memref<2000x24xf32, #tpu.memory_space<vmem>>) attributes {dimension_semantics = [#tpu.dimension_semantics<arbitrary>], iteration_bounds = array<i64: 5>, scalar_prefetch = 0 : i64, scratch_operands = 0 : i64, tpu.core_type = #tpu.core_type<tc>, window_params = [{transform_indices = @transform_0, window_bounds = array<i64: 2000, 128>}, {transform_indices = @transform_1, window_bounds = array<i64: 2000, 32>}, {transform_indices = @transform_2, window_bounds = array<i64: 2000, 24>}]} {
    %get3A = arith.constant 0 : index
    %get3A_0 = arith.constant 0 : index
    %get3A_1 = vector.load %arg1[%get3A, %get3A_0] : memref<2000x128xf32, #tpu.memory_space<vmem>>, vector<2000x128xf32>
    %get3A_2 = arith.constant 0 : index
    %get3A_3 = arith.constant 0 : index
    %get3A_4 = vector.load %arg2[%get3A_2, %get3A_3] : memref<2000x32xf32, #tpu.memory_space<vmem>>, vector<2000x32xf32>
    %slice3A = vector.extract_strided_slice %get3A_4 {offsets = [0, 0], sizes = [2000, 24], strides = [1, 1]} : vector<2000x32xf32> to vector<2000x24xf32>
    %slice3A_5 = vector.extract_strided_slice %get3A_4 {offsets = [0, 24], sizes = [2000, 1], strides = [1, 1]} : vector<2000x32xf32> to vector<2000x1xf32>
    %slice3A_6 = vector.extract_strided_slice %get3A_1 {offsets = [0, 0], sizes = [2000, 24], strides = [1, 1]} : vector<2000x128xf32> to vector<2000x24xf32>
    %slice3A_7 = vector.extract_strided_slice %get3A_1 {offsets = [0, 64], sizes = [2000, 24], strides = [1, 1]} : vector<2000x128xf32> to vector<2000x24xf32>
    %add3A = arith.addf %slice3A_6, %slice3A_7 : vector<2000x24xf32>
    %mul3A = vector.broadcast %slice3A_5 : vector<2000x1xf32> to vector<2000x24xf32>
    %mul3A_8 = arith.mulf %add3A, %mul3A : vector<2000x24xf32>
    %add3A_9 = arith.addf %mul3A_8, %slice3A : vector<2000x24xf32>
    %reduce_max3A = arith.constant dense<0xFF800000> : vector<2000xf32>
    %reduce_max3A_10 = vector.multi_reduction <maximumf>, %add3A_9, %reduce_max3A [1] : vector<2000x24xf32> to vector<2000xf32>
    %broadcast_in_dim3A = vector.shape_cast %reduce_max3A_10 : vector<2000xf32> to vector<2000x1xf32>
    %sub3A = vector.broadcast %broadcast_in_dim3A : vector<2000x1xf32> to vector<2000x24xf32>
    %sub3A_11 = arith.subf %add3A_9, %sub3A : vector<2000x24xf32>
    %exp3A = math.exp %sub3A_11 : vector<2000x24xf32>
    %reduce_sum3A = arith.constant dense<0.000000e+00> : vector<2000xf32>
    %reduce_sum3A_12 = vector.multi_reduction <add>, %exp3A, %reduce_sum3A [1] : vector<2000x24xf32> to vector<2000xf32>
    %broadcast_in_dim3A_13 = vector.shape_cast %reduce_sum3A_12 : vector<2000xf32> to vector<2000x1xf32>
    %log3A = math.log %broadcast_in_dim3A_13 : vector<2000x1xf32>
    %sub3A_14 = vector.broadcast %broadcast_in_dim3A : vector<2000x1xf32> to vector<2000x24xf32>
    %sub3A_15 = arith.subf %add3A_9, %sub3A_14 : vector<2000x24xf32>
    %sub3A_16 = vector.broadcast %log3A : vector<2000x1xf32> to vector<2000x24xf32>
    %sub3A_17 = arith.subf %sub3A_15, %sub3A_16 : vector<2000x24xf32>
    %swap3A = arith.constant 0 : index
    %swap3A_18 = arith.constant 0 : index
    %swap3A_19 = vector.load %arg3[%swap3A, %swap3A_18] : memref<2000x24xf32, #tpu.memory_space<vmem>>, vector<2000x24xf32>
    tpu.vector_store %arg3[%swap3A, %swap3A_18], %sub3A_17 {strides = array<i32>} : memref<2000x24xf32, #tpu.memory_space<vmem>>, vector<2000x24xf32>,
    return
  }
  func.func @transform_0(%arg0: i32) -> (i32, i32) {
    %c0_i32 = arith.constant 0 : i32
    %c0_i32_0 = arith.constant 0 : i32
    return %arg0, %c0_i32 : i32, i32
  }
  func.func @transform_1(%arg0: i32) -> (i32, i32) {
    %c0_i32 = arith.constant 0 : i32
    %c0_i32_0 = arith.constant 0 : i32
    return %arg0, %c0_i32 : i32, i32
  }
  func.func @transform_2(%arg0: i32) -> (i32, i32) {
    %c0_i32 = arith.constant 0 : i32
    %c0_i32_0 = arith.constant 0 : i32
    return %arg0, %c0_i32 : i32, i32
  }
}

module attributes {stable_mosaic.version = 14 : i64} {
  func.func @_tc2_body(%arg0: i32, %arg1: memref<2000x128xf32, #tpu.memory_space<vmem>>, %arg2: memref<2000x128xf32, #tpu.memory_space<vmem>>, %arg3: memref<48x128xf32, #tpu.memory_space<vmem>>, %arg4: memref<48x32xf32, #tpu.memory_space<vmem>>, %arg5: memref<1x32xf32, #tpu.memory_space<vmem>>, %arg6: memref<2000x128xf32, #tpu.memory_space<vmem>>, %arg7: memref<2000x32xf32, #tpu.memory_space<vmem>>) attributes {dimension_semantics = [#tpu.dimension_semantics<arbitrary>], iteration_bounds = array<i64: 5>, scalar_prefetch = 0 : i64, scratch_operands = 0 : i64, tpu.core_type = #tpu.core_type<tc>, window_params = [{transform_indices = @transform_0, window_bounds = array<i64: 2000, 128>}, {transform_indices = @transform_1, window_bounds = array<i64: 2000, 128>}, {pipeline_mode = #tpu.pipeline_mode<synchronous>, transform_indices = @transform_2, window_bounds = array<i64: 48, 128>}, {pipeline_mode = #tpu.pipeline_mode<synchronous>, transform_indices = @transform_3, window_bounds = array<i64: 48, 32>}, {pipeline_mode = #tpu.pipeline_mode<synchronous>, transform_indices = @transform_4, window_bounds = array<i64: 1, 32>}, {transform_indices = @transform_5, window_bounds = array<i64: 2000, 128>}, {transform_indices = @transform_6, window_bounds = array<i64: 2000, 32>}]} {
    %get3A = arith.constant 0 : index
    %get3A_0 = arith.constant 0 : index
    %get3A_1 = vector.load %arg1[%get3A, %get3A_0] : memref<2000x128xf32, #tpu.memory_space<vmem>>, vector<2000x128xf32>
    %slice3A = vector.extract_strided_slice %get3A_1 {offsets = [0, 0], sizes = [2000, 48], strides = [1, 1]} : vector<2000x128xf32> to vector<2000x48xf32>
    %slice3A_2 = vector.extract_strided_slice %get3A_1 {offsets = [0, 64], sizes = [2000, 48], strides = [1, 1]} : vector<2000x128xf32> to vector<2000x48xf32>
    %add3A = arith.addf %slice3A, %slice3A_2 : vector<2000x48xf32>
    %iota3A = tpu.iota {dimensions = array<i32: 1>} : vector<2000x48xi32>
    %eq3A = arith.constant 40 : i32
    %eq3A_3 = vector.broadcast %eq3A : i32 to vector<2000x48xi32>
    %eq3A_4 = arith.cmpi eq, %iota3A, %eq3A_3 : vector<2000x48xi32>
    %jit3A = arith.constant 0.000000e+00 : f32
    %broadcast_in_dim3A = vector.broadcast %jit3A : f32 to vector<2000x48xf32>
    %select_n3A = arith.select %eq3A_4, %add3A, %broadcast_in_dim3A : vector<2000x48xi1>, vector<2000x48xf32>
    %reduce_sum3A = arith.constant dense<0.000000e+00> : vector<2000xf32>
    %reduce_sum3A_5 = vector.multi_reduction <add>, %select_n3A, %reduce_sum3A [1] : vector<2000x48xf32> to vector<2000xf32>
    %broadcast_in_dim3A_6 = vector.shape_cast %reduce_sum3A_5 : vector<2000xf32> to vector<2000x1xf32>
    %max3A = arith.constant 1.000000e+00 : f32
    %max3A_7 = vector.broadcast %max3A : f32 to vector<2000x1xf32>
    %max3A_8 = arith.maximumf %broadcast_in_dim3A_6, %max3A_7 : vector<2000x1xf32>
    %div3A = arith.constant 1.000000e+00 : f32
    %div3A_9 = vector.broadcast %div3A : f32 to vector<2000x1xf32>
    %div3A_10 = arith.divf %div3A_9, %max3A_8 : vector<2000x1xf32>
    %get3A_11 = arith.constant 0 : index
    %get3A_12 = arith.constant 0 : index
    %get3A_13 = vector.load %arg2[%get3A_11, %get3A_12] : memref<2000x128xf32, #tpu.memory_space<vmem>>, vector<2000x128xf32>
    %slice3A_14 = vector.extract_strided_slice %get3A_13 {offsets = [0, 48], sizes = [2000, 48], strides = [1, 1]} : vector<2000x128xf32> to vector<2000x48xf32>
    %mul3A = vector.broadcast %div3A_10 : vector<2000x1xf32> to vector<2000x48xf32>
    %mul3A_15 = arith.mulf %add3A, %mul3A : vector<2000x48xf32>
    %add3A_16 = arith.addf %mul3A_15, %slice3A_14 : vector<2000x48xf32>
    %max3A_17 = arith.constant 0.000000e+00 : f32
    %max3A_18 = vector.broadcast %max3A_17 : f32 to vector<2000x48xf32>
    %max3A_19 = arith.maximumf %add3A_16, %max3A_18 : vector<2000x48xf32>
    %get3A_20 = arith.constant 0 : index
    %get3A_21 = arith.constant 0 : index
    %get3A_22 = vector.load %arg3[%get3A_20, %get3A_21] : memref<48x128xf32, #tpu.memory_space<vmem>>, vector<48x128xf32>
    %dot_general3A = arith.constant dense<0.000000e+00> : vector<2000x128xf32>
    %dot_general3A_23 = tpu.matmul %max3A_19, %get3A_22, %dot_general3A {dimension_numbers = #tpu.dot_dimension_numbers<[1], [0], [0], [1], [0, 0, 1, 1], [], []>, transpose_lhs_hint = false} : vector<2000x48xf32>, vector<48x128xf32>, vector<2000x128xf32> -> vector<2000x128xf32>
    %swap3A = arith.constant 0 : index
    %swap3A_24 = arith.constant 0 : index
    %swap3A_25 = vector.load %arg6[%swap3A, %swap3A_24] : memref<2000x128xf32, #tpu.memory_space<vmem>>, vector<2000x128xf32>
    tpu.vector_store %arg6[%swap3A, %swap3A_24], %dot_general3A_23 {strides = array<i32>} : memref<2000x128xf32, #tpu.memory_space<vmem>>, vector<2000x128xf32>,
    %get3A_26 = arith.constant 0 : index
    %get3A_27 = arith.constant 0 : index
    %get3A_28 = vector.load %arg4[%get3A_26, %get3A_27] : memref<48x32xf32, #tpu.memory_space<vmem>>, vector<48x32xf32>
    %dot_general3A_29 = arith.constant dense<0.000000e+00> : vector<2000x32xf32>
    %dot_general3A_30 = tpu.matmul %max3A_19, %get3A_28, %dot_general3A_29 {dimension_numbers = #tpu.dot_dimension_numbers<[1], [0], [0], [1], [0, 0, 1, 1], [], []>, transpose_lhs_hint = false} : vector<2000x48xf32>, vector<48x32xf32>, vector<2000x32xf32> -> vector<2000x32xf32>
    %get3A_31 = arith.constant 0 : index
    %get3A_32 = arith.constant 0 : index
    %get3A_33 = vector.load %arg5[%get3A_31, %get3A_32] : memref<1x32xf32, #tpu.memory_space<vmem>>, vector<1x32xf32>
    %add3A_34 = vector.broadcast %get3A_33 : vector<1x32xf32> to vector<2000x32xf32>
    %add3A_35 = arith.addf %dot_general3A_30, %add3A_34 : vector<2000x32xf32>
    %iota3A_36 = tpu.iota {dimensions = array<i32: 1>} : vector<2000x32xi32>
    %eq3A_37 = arith.constant 24 : i32
    %eq3A_38 = vector.broadcast %eq3A_37 : i32 to vector<2000x32xi32>
    %eq3A_39 = arith.cmpi eq, %iota3A_36, %eq3A_38 : vector<2000x32xi32>
    %broadcast_in_dim3A_40 = vector.shape_cast %div3A_10 : vector<2000x1xf32> to vector<2000x1xf32>
    %broadcast_in_dim3A_41 = vector.broadcast %broadcast_in_dim3A_40 : vector<2000x1xf32> to vector<2000x32xf32>
    %select_n3A_42 = arith.select %eq3A_39, %broadcast_in_dim3A_41, %add3A_35 : vector<2000x32xi1>, vector<2000x32xf32>
    %swap3A_43 = arith.constant 0 : index
    %swap3A_44 = arith.constant 0 : index
    %swap3A_45 = vector.load %arg7[%swap3A_43, %swap3A_44] : memref<2000x32xf32, #tpu.memory_space<vmem>>, vector<2000x32xf32>
    tpu.vector_store %arg7[%swap3A_43, %swap3A_44], %select_n3A_42 {strides = array<i32>} : memref<2000x32xf32, #tpu.memory_space<vmem>>, vector<2000x32xf32>,
    return
  }
  func.func @transform_0(%arg0: i32) -> (i32, i32) {
    %c0_i32 = arith.constant 0 : i32
    %c0_i32_0 = arith.constant 0 : i32
    return %arg0, %c0_i32 : i32, i32
  }
  func.func @transform_1(%arg0: i32) -> (i32, i32) {
    %c0_i32 = arith.constant 0 : i32
    %c0_i32_0 = arith.constant 0 : i32
    return %arg0, %c0_i32 : i32, i32
  }
  func.func @transform_2(%arg0: i32) -> (i32, i32) {
    %c0_i32 = arith.constant 0 : i32
    %c0_i32_0 = arith.constant 0 : i32
    %c0_i32_1 = arith.constant 0 : i32
    return %c0_i32, %c0_i32_0 : i32, i32
  }
  func.func @transform_3(%arg0: i32) -> (i32, i32) {
    %c0_i32 = arith.constant 0 : i32
    %c0_i32_0 = arith.constant 0 : i32
    %c0_i32_1 = arith.constant 0 : i32
    return %c0_i32, %c0_i32_0 : i32, i32
  }
  func.func @transform_4(%arg0: i32) -> (i32, i32) {
    %c0_i32 = arith.constant 0 : i32
    %c0_i32_0 = arith.constant 0 : i32
    %c0_i32_1 = arith.constant 0 : i32
    return %c0_i32, %c0_i32_0 : i32, i32
  }
  func.func @transform_5(%arg0: i32) -> (i32, i32) {
    %c0_i32 = arith.constant 0 : i32
    %c0_i32_0 = arith.constant 0 : i32
    return %arg0, %c0_i32 : i32, i32
  }
  func.func @transform_6(%arg0: i32) -> (i32, i32) {
    %c0_i32 = arith.constant 0 : i32
    %c0_i32_0 = arith.constant 0 : i32
    return %arg0, %c0_i32 : i32, i32
  }
}

</mosaic_0001>

<sc_bundles>
// kernel: kernel.10.cloned.1.call-start
scs
__scs_entry_jumppad:
0x0: {  	(pc) =	sbr.rel $0x88, $3  }
0x1: {  	(tag) =	ssettag $0x0;
	lr =	simm.s32 $0x1  }
0x2: {  	[smem:$0x3F99] =	sst lr;
	_ =	strace $0xD0000000  }
0x3: {  	_ = 	snop  }
0x4: {  	_ = 	snop  }
0x5: {  	_ = 	snop  }
0x6: {  	_ = 	snop  }
0x7: {  	_ = 	snop  }
__scs_overlays_trampoline_lowered:
0x8: {  	[smem:$0x3FA8] =	sst s0  }
0x9: {  	[smem:$0x3FA9] =	sst s1  }
0xa: {  	[smem:$0x3FAA] =	sst s2  }
0xb: {  	[smem:$0x3FAB] =	sst s3  }
0xc: {  	[smem:$0x3FAC] =	sst s4  }
0xd: {  	[smem:$0x3FAD] =	sst s5  }
0xe: {  	[smem:$0x3FAE] =	sst s6  }
0xf: {  	[smem:$0x3FAF] =	sst s7  }
0x10: {  	[smem:$0x3FB0] =	sst s8  }
0x11: {  	[smem:$0x3FB1] =	sst s9;
	s0 =	simm.s32 @!p0 $0x0  }
0x12: {  	s1 =	sld [smem:$0x3F97];
	s0 =	simm.s32 @p0 $0x1  }
0x13: {  	[smem:$0x3FB2] =	sst s0;
	s0 =	simm.s32 @!p1 $0x0  }
0x14: {  	s2 =	sld [smem:$0x3F96];
	s0 =	simm.s32 @p1 $0x1  }
0x15: {  	[smem:$0x3FB3] =	sst s0;
	s0 =	simm.s32 @!p2 $0x0  }
0x16: {  	s3 =	sld [smem:$0x3FDB];
	s0 =	simm.s32 @p2 $0x1  }
0x17: {  	s4 =	simm.s32 $0x1BF5;
	[smem:$0x3FB5] =	sst s0  }
0x18: {  	s0 =	sld [smem:$0x3F98];
	_ =	swait.ge [sflag:s4], $0x0  }
0x19: {  	s7 =	sld [smem:$0x3F99]  }
0x1a: {  	s8 =	sadd.s32 $0xFFFFE003, lr  }
0x1b: {  	s9 =	sadd.s32 $0xFFFFFEF7, lr;
	s5 =	simm.s32 $0xFFFFFFFF;
	p2 =	slt.u32 s8, $0xFFFFF086  }
0x1c: {  	p1 =	slt.u32 s9, $0xF7A;
	s5 =	simm.s32 @!p2 $0x0  }
0x1d: {  	s5 =	simm.s32 @p1 $0x1;
	p0 =	seq.s32 s7, s2  }
0x1e: {  	s7 =	smul.u32 @!p0 $0xF7A, s2;
	p2 =	seq.s32 @!p0 s5, $0x0  }
0x1f: {  	s9 =	smul.u32 $0xF7A, s1;
	s8 =	simm.s32 @!p0 $0x1BF5;
	p2 =	por !p2, p0  }
0x20: {  	[sflag:s8] =	ssyncset.s32 @!p0 $0xFFFFF086;
	s6 =	sadd.s32 @!p0 s3, s7;
	s7 =	simm.s32 @!p0 $0x108  }
0x21: {  	s3 =	sadd.s32 s3, s9;
	s6 =	sadd.s32 @!p0 $0x88, s6;
	s7 =	simm.s32 @p2 $0x1082  }
0x22: {  	[simem:s7], [sflag:s8] =	dma.local @!p0 [hbm:s6], $0xF7A  }
0x23: {  	s9 =	sor.u32 $0xD0000000, s2;
	s6 =	simm.s32 $0x108;
	_ =	swait.ge @!p0 [sflag:s8], $0x0  }
0x24: {  	s3 =	sadd.s32 $0x88, s3;
	s6 =	simm.s32 @!p1 $0x1082;
	[sflag:s4] =	ssyncset.s32 $0xFFFFF086  }
0x25: {  	[simem:s6], [sflag:s4] =	dma.local [hbm:s3], $0xF7A  }
0x26: {  	[smem:$0x3F99] =	sst s1;
	(tag) =	ssettag s2;
	_ =	strace s9  }
0x27: {  	s1 =	sld [smem:$0x3FA9]  }
0x28: {  	s2 =	sld [smem:$0x3FAA]  }
0x29: {  	s4 =	sld [smem:$0x3FAC]  }
0x2a: {  	p0 =	seq.s32 s5, $0x0;
	s5 =	sld [smem:$0x3FAD]  }
0x2b: {  	s6 =	sld [smem:$0x3FAE]  }
0x2c: {  	s7 =	sld [smem:$0x3FAF]  }
0x2d: {  	s3 =	simm.s32 $0x108;
	s8 =	sld [smem:$0x3FB0]  }
0x2e: {  	s3 =	simm.s32 @!p0 $0x1082;
	s9 =	sld [smem:$0x3FB1]  }
0x2f: {  	lr =	sadd.s32 s0, s3;
	s0 =	sld [smem:$0x3FA8]  }
0x30: {  	s3 =	sld [smem:$0x3FAB]  }
0x31: {  	[smem:$0x3FB4] =	sst s10  }
0x32: {  	s10 =	sld [smem:$0x3FB2];
	_ =	sdelay $0x3  }
0x33: {  	p0 =	seq.s32 s10, $0x1;
	s10 =	sld [smem:$0x3FB4];
	_ =	sdelay $0x3  }
0x34: {  	[smem:$0x3FB4] =	sst s10  }
0x35: {  	s10 =	sld [smem:$0x3FB3];
	_ =	sdelay $0x3  }
0x36: {  	p1 =	seq.s32 s10, $0x1;
	s10 =	sld [smem:$0x3FB4];
	_ =	sdelay $0x3  }
0x37: {  	[smem:$0x3FB4] =	sst s10  }
0x38: {  	s10 =	sld [smem:$0x3FB5]  }
0x39: {  	_ = 	snop;
	(pc) =	sbr.ind lr, $3  }
0x3a: {  	_ = 	snop  }
0x3b: {  	_ = 	snop  }
0x3c: {  	p2 =	seq.s32 s10, $0x1;
	s10 =	sld [smem:$0x3FB4]  }
0x3d: {  	_ =	shalt  }
0x3e: {  	_ =	shalt  }
0x3f: {  	_ =	shalt  }
0x40: {  	_ =	shalt  }
0x41: {  	_ =	shalt  }
0x42: {  	_ =	shalt  }
0x43: {  	_ =	shalt  }
0x44: {  	_ =	shalt  }
0x45: {  	_ =	shalt  }
0x46: {  	_ =	shalt  }
0x47: {  	_ =	shalt  }
0x48: {  	_ =	shalt  }
0x49: {  	_ =	shalt  }
0x4a: {  	_ =	shalt  }
0x4b: {  	_ =	shalt  }
0x4c: {  	_ =	shalt  }
0x4d: {  	_ =	shalt  }
0x4e: {  	_ =	shalt  }
0x4f: {  	_ =	shalt  }
0x50: {  	_ =	shalt  }
0x51: {  	_ =	shalt  }
0x52: {  	_ =	shalt  }
0x53: {  	_ =	shalt  }
0x54: {  	_ =	shalt  }
0x55: {  	_ =	shalt  }
0x56: {  	_ =	shalt  }
0x57: {  	_ =	shalt  }
0x58: {  	_ =	shalt  }
0x59: {  	_ =	shalt  }
0x5a: {  	_ =	shalt  }
0x5b: {  	_ =	shalt  }
0x5c: {  	_ =	shalt  }
0x5d: {  	_ =	shalt  }
0x5e: {  	_ =	shalt  }
0x5f: {  	_ =	shalt  }
0x60: {  	_ =	shalt  }
0x61: {  	_ =	shalt  }
0x62: {  	_ =	shalt  }
0x63: {  	_ =	shalt  }
0x64: {  	_ =	shalt  }
0x65: {  	_ =	shalt  }
0x66: {  	_ =	shalt  }
0x67: {  	_ =	shalt  }
0x68: {  	_ =	shalt  }
0x69: {  	_ =	shalt  }
0x6a: {  	_ =	shalt  }
0x6b: {  	_ =	shalt  }
0x6c: {  	_ =	shalt  }
0x6d: {  	_ =	shalt  }
0x6e: {  	_ =	shalt  }
0x6f: {  	_ =	shalt  }
0x70: {  	_ =	shalt  }
0x71: {  	_ =	shalt  }
0x72: {  	_ =	shalt  }
0x73: {  	_ =	shalt  }
0x74: {  	_ =	shalt  }
0x75: {  	_ =	shalt  }
0x76: {  	_ =	shalt  }
0x77: {  	_ =	shalt  }
0x78: {  	_ =	shalt  }
0x79: {  	_ =	shalt  }
0x7a: {  	_ =	shalt  }
0x7b: {  	_ =	shalt  }
0x7c: {  	_ =	shalt  }
0x7d: {  	_ =	shalt  }
0x7e: {  	_ =	shalt  }
0x7f: {  	_ =	shalt  }
0x80: {  	_ =	shalt  }
0x81: {  	_ =	shalt  }
0x82: {  	_ =	shalt  }
0x83: {  	_ =	shalt  }
0x84: {  	_ =	shalt  }
0x85: {  	_ =	shalt  }
0x86: {  	_ =	shalt  }
0x87: {  	_ =	shalt  }
.Lfunc_end0:
.L_simem_size_0:
called_computation.1_lowered:
.L_overlay_start_0:
0x88: {  	s2 =	sld [smem:$0x3FD9]  }
0x89: {  	s3 =	sld [smem:$0x3FFE];
	_ =	sdelay $0x1  }
0x8a: {  	s1 =	srdreg.scid  }
0x8b: {  	s0 =	sand.u32 $0x1, s1  }
0x8c: {  	s17 =	sshll.u32 s0, $0xA;
	s2 =	sadd.s32 s3, s2  }
0x8d: {  	s2 =	sadd.s32 s2, s17  }
0x8e: {  	[smem:$0x3FC0] =	sst s2  }
0x8f: {  	_ = 	snop  }
0x90: {  	s2 =	sld [smem:$0x3FD0];
	(tm) =	ssettm $0x1  }
0x91: {  	s18 =	sld [smem:$0x3FFB];
	_ =	sdelay $0x3  }
0x92: {  	_ =	strace s18  }
0x93: {  	s3 =	sld [smem:$0x3FFC];
	_ =	sdelay $0x3  }
0x94: {  	_ =	strace s3  }
0x95: {  	s3 =	sld [smem:$0x3FFD];
	_ =	sdelay $0x3  }
0x96: {  	_ =	strace s3  }
0x97: {  	_ =	strace $0x8FFFFFFF  }
0x98: {  	s19 =	sld [smem:$0x3FDB];
	_ =	sdelay $0x1  }
0x99: {  	s4 =	simm.s32 $_scs_section_size  }
0x9a: {  	s5 =	simm.s32 $_size__tile_overlayer_lowered;
	s6 =	simm.s32 $_tile_overlayer_lowered  }
0x9b: {  	s22 =	simm.s32 $0x1BFF;
	s21 =	sshll.u32 s6, $0x1;
	s3 =	sadd.s32 s4, s19  }
0x9c: {  	s7 =	simm.s32 $0x0;
	s20 =	sshll.u32 s5, $0x1;
	s5 =	sadd.s32 s21, s3  }
0x9d: {  	[timem:s7], [sflag:s22] =	dma.local [hbm:s5], s20  }
0x9e: {  	_ =	swait.ge [sflag:s22], s20  }
0x9f: {  	s4 =	ssub.s32 $0x0, s20;
	[sflag:s22] =	ssyncset.done $0x0  }
0xa0: {  	[sflag:s22] =	ssyncadd.s32 s4;
	_ =	sdelay $0x1  }
0xa1: {  	s23 =	simm.s32 $0x1B8B  }
0xa2: {  	_ =	swait.ge [sflag:s23], $0x1  }
0xa3: {  	[sflag:s23] =	ssyncset.done $0x0  }
0xa4: {  	s25 =	simm.s32 $0x1B8E;
	s24 =	sld [smem:$0x3FFE];
	[sflag:s23] =	ssyncadd.s32 $0xFFFFFFFF  }
0xa5: {  	s26 =	simm.s32 $execute0_lowered;
	[smem:$0x3FD2] =	sst s25  }
0xa6: {  	s5 =	sshll.u32 s26, $0x1;
	_ =	strace $0x80000049;
	[dreg:$0x1] =	wrdreg $0xFFFFFFFF  }
0xa7: {  	s28 =	simm.s32 $_size_execute0_lowered;
	s3 =	sadd.s32 s3, s5;
	[dreg:$0x0] =	wrdreg $0x0  }
0xa8: {  	s5 =	sshll.u32 s28, $0x1;
	[dreg:$0x2] =	wrdreg s3  }
0xa9: {  	[dreg:$0x3] =	wrdreg s5  }
0xaa: {  	[dreg:$0x4] =	wrdreg $0xC0  }
0xab: {  	_ =	task [dreg:s7], $0x5FFFF  }
0xac: {  	[dreg:$0x1] =	wrdreg $0xFFFFFFFF  }
0xad: {  	[dreg:$0x0] =	wrdreg $0x60  }
0xae: {  	[dreg:$0x2] =	wrdreg s24  }
0xaf: {  	[dreg:$0x3] =	wrdreg s2  }
0xb0: {  	[dreg:$0x4] =	wrdreg $0x70000  }
0xb1: {  	[dreg:$0x5] =	wrdreg $0xC0000  }
0xb2: {  	[dreg:$0x6] =	wrdreg $0x9  }
0xb3: {  	_ =	task.clear_ibuf [dreg:s7], $0x7FFFF;
	_ =	strace $0x90000049  }
0xb4: {  	s29 =	simm.s32 $0x9;
	_ =	strace $0x8000004B  }
0xb5: {  	_ =	swait.ge [sflag:s29], $0x1  }
0xb6: {  	[sflag:s29] =	ssyncadd.s32 $0xFFFFFFFF  }
0xb7: {  	_ =	strace $0x9000004B  }
0xb8: {  	_ =	sfence  }
0xb9: {  	s30 =	sld [smem:$0x0];
	_ =	sdelay $0x2  }
0xba: {  	s31 =	sshll.u32 s1, $0xD;
	s1 =	sshrl.u32 s1, $0x2  }
0xbb: {  	s3 =	sand.u32 $0x4000, s31;
	s1 =	sadd.s32 s1, s30  }
0xbc: {  	s0 =	sor.u32 s3, s0;
	s1 =	sshll.u32 s1, $0x11  }
0xbd: {  	s0 =	sor.u32 s1, s0  }
0xbe: {  	s0 =	sadd.s32 $0x8F2B, s0  }
0xbf: {  	[sflag:s0] =	ssyncadd.remote.s32 $0x1  }
0xc0: {  	_ =	sfence.sel $0xFFFF  }
0xc1: {  	[dreg:$0x0] =	wrdreg $0xFFFFFFFF;
	(pc) =	sbr.abs _section_cstart, $3  }
0xc2: {  	[dreg:$0x1] =	wrdreg $0xFFFFFFFF  }
0xc3: {  	_ =	task.clear_ibuf [dreg:s7], $0x2FFFF;
	_ =	strace $0x9FFFFFFF  }
0xc4: {  	(tm) =	ssettm $0x7FFFFFFF  }
0xc5: {  	_ =	shalt  }
tec
execute0_lowered:
.L_overlay_start_1:
0x0: {  	(tag) =	ssettag $0x1  }
0x1: {  	s6 =	rddreg [dreg:$0x0]  }
0x2: {  	s1 =	rddreg [dreg:$0x1];
	s0 =	stileid.u32  }
0x3: {  	s2 =	srdreg.scid;
	s3 =	rddreg [dreg:$0x2]  }
0x4: {  	s4 =	rddreg [dreg:$0x3];
	s5 =	simm.s32 $0x0;
	s16 =	simm.s32 $0x4  }
0x5: {  	s17 =	simm.s32 $0x10;
	s18 =	simm.s32 $0x2800;
	s19 =	simm.s32 $0x3  }
0x6: {  	s20 =	simm.s32 $0x2;
	s21 =	simm.s32 $0x80;
	s22 =	simm.s32 $0x5000  }
0x7: {  	s23 =	simm.s32 $0x6000;
	s24 =	simm.s32 $0x2780;
	s28 =	simm.s32 $0x0  }
0x8: {  	s7 =	sand.u32 $0x1, s2;
	s8 =	smul.u32 $0x2710, s0;
	s2 =	rddreg [dreg:$0x4]  }
0x9: {  	s25 =	sshll.u32 s0, $0x1;
	[smem:$0x7FF] =	sst s5;
	s10 =	smul.u32 $0x14000, s0  }
0xa: {  	s30 =	smul.u32 $0x13880, s0;
	s9 =	sor.u32 s7, s25;
	_ =	strace $0x8000004A  }
0xb: {  	s11 =	sshll.u32 s7, $0x6;
	s7 =	ssub.s32 $0x2, s7;
	s25 =	simm.s32 $0x4F00  }
0xc: {  	s9 =	smul.u32 $0x2800, s9;
	s8 =	sadd.s32 s8, s6;
	s11 =	sor.u32 s11, s10  }
0xd: {  	s29 =	sshrl.u32 s7, $0x1;
	s31 =	sshrl.u32 s10, $0x2;
	s26 =	sshrl.u32 s11, $0x3  }
0xe: {  	s13 =	ssub.s32 s7, s29;
	s14 =	sadd.s32 s31, s3;
	s8 =	sadd.s32 $0x14600, s8  }
0xf: {  	s9 =	sshrl.u32 s9, $0x3;
	s11 =	sadd.s32 s26, s6;
	s26 =	simm.s32 $0x4F80  }
0x10: {  	s12 =	sadd.s32 s9, s6;
	s6 =	sshll.u32 s0, $0x6;
	s9 =	sshrl.u32 s30, $0x2  }
0x11: {  	s11 =	sadd.s32 $0x3B800, s11;
	s7 =	sor.u32 $0x1C03, s6;
	s15 =	sadd.s32 s9, s4  }
0x12: {  	s9 =	sadd.s32 $0x600, s12;
	s10 =	sadd.s32 $0xA600, s12;
	s12 =	smax.u32 s13, $0x1  }
0x13: {  	s13 =	sshrl.u32 s14, $0x3;
	s14 =	sshrl.u32 s15, $0x3;
	s15 =	simm.s32 $0x1  }
.LBB2_1:
0x14: {  	[spmem:s13], [sflag:s7] =	dma.local [hbm:s1], $0xA00  }
0x15: {  	[spmem:s14@s16], [sflag:s7] =	dma.strided [hbm:s8@s17], $0x9C4, s15, $0x4   }
0x16: {  	[tilespmem:s5], [sflag:$0x1] =	stream.linear.gather [hbm4b:s9+s5], $0x2800, $0x38;
	[tilespmem:$0x10E20] =	vst v63  }
0x17: {  	_ = 	snop  }
0x18: {  	[tilespmem:s18], [sflag:$0x2] =	stream.linear.gather [hbm4b:s10+s5], $0x2800, $0x38;
	[tilespmem:$0x10E20] =	vst v63  }
0x19: {  	_ =	swait.ge [sflag:s19], $0xA00  }
0x1a: {  	[sflag:s19] =	ssyncset.done $0x0  }
0x1b: {  	[sflag:s19] =	ssyncadd.s32 $0xFFFFF600  }
0x1c: {  	_ =	swait.ge [sflag:s19], $0x9C4  }
0x1d: {  	[sflag:s19] =	ssyncset.done $0x0  }
0x1e: {  	[sflag:s19] =	ssyncadd.s32 $0xFFFFF63C  }
0x1f: {  	_ =	swait.ge [sflag:s15], $0x2800  }
0x20: {  	[sflag:s15] =	ssyncset.done $0x0  }
0x21: {  	[sflag:s15] =	ssyncadd.s32 $0xFFFFD800  }
0x22: {  	_ =	swait.ge [sflag:s20], $0x2800  }
0x23: {  	[sflag:s20] =	ssyncset.done $0x0  }
0x24: {  	[sflag:s20] =	ssyncadd.s32 $0xFFFFD800  }
0x25: {  	[bflag:$0x0] =	sbarrier.arrive $0xFFFF  }
0x26: {  	[tilespmem:s22], [sflag:$0x1] =	stream.indirect.gather [spmem:s4], $0x20, s5, s21, $0xb8;
	[tilespmem:$0x10E20] =	vst v63  }
0x27: {  	_ =	swait.ge [sflag:s15], $0x1000  }
0x28: {  	[sflag:s15] =	ssyncset.done $0x0  }
0x29: {  	s29 =	simm.s32 $0x80;
	[sflag:s15] =	ssyncadd.s32 $0xFFFFF000  }
0x2a: {  	[tilespmem:s23], [sflag:$0x2] =	stream.indirect.gather [spmem:s4], $0x20, s29, s21, $0xb8;
	[tilespmem:$0x10E20] =	vst v63  }
0x2b: {  	s29 =	simm.s32 $0x2800  }
0x2c: {  	[spmem:s3] =	stream.indirect.scatter.add.f32 [tilespmem:s22], [sflag:$0x4], $0x20, s29, s21, $0xb8;
	[tilespmem:$0x10E20] =	vst v63  }
0x2d: {  	_ =	swait.ge [sflag:s16], $0x1000  }
0x2e: {  	[sflag:s16] =	ssyncset.done $0x0  }
0x2f: {  	[sflag:s16] =	ssyncadd.s32 $0xFFFFF000  }
0x30: {  	_ =	swait.ge [sflag:s20], $0x1000  }
0x31: {  	[sflag:s20] =	ssyncset.done $0x0  }
0x32: {  	s29 =	simm.s32 $0x100;
	[sflag:s20] =	ssyncadd.s32 $0xFFFFF000  }
0x33: {  	[tilespmem:s22], [sflag:$0x1] =	stream.indirect.gather [spmem:s4], $0x20, s29, s21, $0xb8;
	[tilespmem:$0x10E20] =	vst v63  }
0x34: {  	s29 =	simm.s32 $0x2880  }
0x35: {  	[spmem:s3] =	stream.indirect.scatter.add.f32 [tilespmem:s23], [sflag:$0x4], $0x20, s29, s21, $0xb8;
	[tilespmem:$0x10E20] =	vst v63  }
0x36: {  	_ =	swait.ge [sflag:s16], $0x1000  }
0x37: {  	s29 =	simm.s32 $0x400;
	[sflag:s16] =	ssyncset.done $0x0  }
.LBB2_2:
0x38: {  	p0 =	sne.s32 s29, $0x9800  }
0x39: {  	[sflag:s16] =	ssyncadd.s32 $0xFFFFF000;
	s30 =	smov.u32 s29;
	s29 =	sadd.s32 $0x400, s29  }
0x3a: {  	_ = 	snop  }
0x3b: {  	_ =	swait.ge [sflag:s15], $0x1000  }
0x3c: {  	s30 =	sshra.s32 s30, $0x2;
	[sflag:s15] =	ssyncset.done $0x0  }
0x3d: {  	s31 =	sadd.s32 $0x80, s30;
	[sflag:s15] =	ssyncadd.s32 $0xFFFFF000  }
0x3e: {  	[tilespmem:s23], [sflag:$0x2] =	stream.indirect.gather [spmem:s4], $0x20, s31, s21, $0xb8;
	[tilespmem:$0x10E20] =	vst v63  }
0x3f: {  	s31 =	sadd.s32 $0x2800, s30  }
0x40: {  	[spmem:s3] =	stream.indirect.scatter.add.f32 [tilespmem:s22], [sflag:$0x4], $0x20, s31, s21, $0xb8;
	[tilespmem:$0x10E20] =	vst v63  }
0x41: {  	_ =	swait.ge [sflag:s16], $0x1000  }
0x42: {  	[sflag:s16] =	ssyncset.done $0x0  }
0x43: {  	[sflag:s16] =	ssyncadd.s32 $0xFFFFF000  }
0x44: {  	_ =	swait.ge [sflag:s20], $0x1000  }
0x45: {  	[sflag:s20] =	ssyncset.done $0x0  }
0x46: {  	s31 =	sadd.s32 $0x100, s30;
	[sflag:s20] =	ssyncadd.s32 $0xFFFFF000  }
0x47: {  	[tilespmem:s22], [sflag:$0x1] =	stream.indirect.gather [spmem:s4], $0x20, s31, s21, $0xb8;
	[tilespmem:$0x10E20] =	vst v63  }
.Ltmp0:
0x48: {  	_ = 	snop;
	(pc) =	sbr.rel @p0 .LBB2_2-.Ltmp0, $4  }
0x49: {  	s30 =	sadd.s32 $0x2880, s30  }
0x4a: {  	[spmem:s3] =	stream.indirect.scatter.add.f32 [tilespmem:s23], [sflag:$0x4], $0x20, s30, s21, $0xb8;
	[tilespmem:$0x10E20] =	vst v63  }
0x4b: {  	_ =	swait.ge [sflag:s16], $0x1000  }
0x4c: {  	[sflag:s16] =	ssyncset.done $0x0  }
0x4d: {  	[sflag:s16] =	ssyncadd.s32 $0xFFFFF000  }
0x4e: {  	_ =	swait.ge [sflag:s15], $0x1000  }
0x4f: {  	[sflag:s15] =	ssyncset.done $0x0  }
0x50: {  	[sflag:s15] =	ssyncadd.s32 $0xFFFFF000  }
0x51: {  	[tilespmem:s23], [sflag:$0x2] =	stream.indirect.gather [spmem:s4], $0x20, s24, s21, $0xb8;
	[tilespmem:$0x10E20] =	vst v63  }
0x52: {  	_ = 	snop  }
0x53: {  	[spmem:s3] =	stream.indirect.scatter.add.f32 [tilespmem:s22], [sflag:$0x4], $0x20, s25, s21, $0xb8;
	[tilespmem:$0x10E20] =	vst v63  }
0x54: {  	_ =	swait.ge [sflag:s16], $0x1000  }
0x55: {  	[sflag:s16] =	ssyncset.done $0x0  }
0x56: {  	[sflag:s16] =	ssyncadd.s32 $0xFFFFF000  }
0x57: {  	_ =	swait.ge [sflag:s20], $0x1000  }
0x58: {  	[sflag:s20] =	ssyncset.done $0x0  }
0x59: {  	[sflag:s20] =	ssyncadd.s32 $0xFFFFF000  }
0x5a: {  	[spmem:s3] =	stream.indirect.scatter.add.f32 [tilespmem:s23], [sflag:$0x4], $0x20, s26, s21, $0xb8;
	[tilespmem:$0x10E20] =	vst v63  }
0x5b: {  	_ =	swait.ge [sflag:s16], $0x1000  }
0x5c: {  	s28 =	sadd.s32 $0x1, s28;
	[sflag:s16] =	ssyncset.done $0x0  }
0x5d: {  	p0 =	sne.s32 s28, s12;
	[sflag:s16] =	ssyncadd.s32 $0xFFFFF000  }
.Ltmp1:
0x5e: {  	s29 =	sor.u32 $0x1C04, s6;
	[bflag:$0x0] =	sbarrier.arrive $0xFFFF;
	(pc) =	sbr.rel @p0 .LBB2_1-.Ltmp1, $4  }
0x5f: {  	[hbm:s11@s17], [sflag:s29] =	dma.strided [spmem:s13@s16], $0xA00, s15, $0x4   }
0x60: {  	_ =	swait.ge [sflag:s16], $0xA00  }
0x61: {  	[sflag:s16] =	ssyncset.done $0x0  }
0x62: {  	[sflag:s16] =	ssyncadd.s32 $0xFFFFF600  }
0x63: {  	_ =	sfence.sel $0x180000  }
0x64: {  	[bflag:$0x0] =	sbarrier.arrive $0xFFFF  }
0x65: {  	p0 =	sne.s32 s0, $0x0;
	_ =	strace $0x9000004A  }
0x66: {  	s0 =	sadd.s32 @!p0 $0x100000, s2;
	[bflag:$0x2] =	sbarrier.arrive $0xFFFF  }
0x67: {  	[sflag:s0] =	ssyncadd.tile.s32 @!p0 $0x1;
	_ =	shalt  }
.Lfunc_end2:
_tile_overlayer_lowered:
.L_overlay_start_2:
0x68: {  	(tag) =	ssettag $0x2  }
0x69: {  	s0 =	rddreg [dreg:$0x0];
	s2 =	stileid.u32  }
0x6a: {  	s1 =	rddreg [dreg:$0x1];
	p0 =	sne.s32 s2, $0x0  }
0x6b: {  	s3 =	rddreg [dreg:$0x2];
	[bflag:$0x3] =	sbarrier.arrive $0xFFFF;
	s2 =	simm.s32 @!p0 $0x1C04  }
0x6c: {  	[timem:s3], [sflag:s2] =	dma.local @!p0 [hbm:s0], s1  }
0x6d: {  	s0 =	simm.s32 @!p0 $0x4  }
0x6e: {  	_ =	swait.ge @!p0 [sflag:s0], s1  }
0x6f: {  	s1 =	ssub.s32 @!p0 $0x0, s1;
	[sflag:s0] =	ssyncset.done @!p0 $0x0  }
0x70: {  	[sflag:s0] =	ssyncadd.s32 @!p0 s1  }
0x71: {  	[bflag:$0x3] =	sbarrier.arrive $0xFFFF  }
0x72: {  	_ =	shalt  }

// kernel: kernel.7.cloned.1.call-start
scs
__scs_entry_jumppad:
0x0: {  	(pc) =	sbr.rel $0x88, $3  }
0x1: {  	(tag) =	ssettag $0x0;
	lr =	simm.s32 $0x1  }
0x2: {  	[smem:$0x3F99] =	sst lr;
	_ =	strace $0xD0000000  }
0x3: {  	_ = 	snop  }
0x4: {  	_ = 	snop  }
0x5: {  	_ = 	snop  }
0x6: {  	_ = 	snop  }
0x7: {  	_ = 	snop  }
__scs_overlays_trampoline_lowered:
0x8: {  	[smem:$0x3FA8] =	sst s0  }
0x9: {  	[smem:$0x3FA9] =	sst s1  }
0xa: {  	[smem:$0x3FAA] =	sst s2  }
0xb: {  	[smem:$0x3FAB] =	sst s3  }
0xc: {  	[smem:$0x3FAC] =	sst s4  }
0xd: {  	[smem:$0x3FAD] =	sst s5  }
0xe: {  	[smem:$0x3FAE] =	sst s6  }
0xf: {  	[smem:$0x3FAF] =	sst s7  }
0x10: {  	[smem:$0x3FB0] =	sst s8  }
0x11: {  	[smem:$0x3FB1] =	sst s9;
	s0 =	simm.s32 @!p0 $0x0  }
0x12: {  	s1 =	sld [smem:$0x3F97];
	s0 =	simm.s32 @p0 $0x1  }
0x13: {  	[smem:$0x3FB2] =	sst s0;
	s0 =	simm.s32 @!p1 $0x0  }
0x14: {  	s2 =	sld [smem:$0x3F96];
	s0 =	simm.s32 @p1 $0x1  }
0x15: {  	[smem:$0x3FB3] =	sst s0;
	s0 =	simm.s32 @!p2 $0x0  }
0x16: {  	s3 =	sld [smem:$0x3FDB];
	s0 =	simm.s32 @p2 $0x1  }
0x17: {  	s4 =	simm.s32 $0x1BF5;
	[smem:$0x3FB5] =	sst s0  }
0x18: {  	s0 =	sld [smem:$0x3F98];
	_ =	swait.ge [sflag:s4], $0x0  }
0x19: {  	s7 =	sld [smem:$0x3F99]  }
0x1a: {  	s8 =	sadd.s32 $0xFFFFE003, lr  }
0x1b: {  	s9 =	sadd.s32 $0xFFFFFEF7, lr;
	s5 =	simm.s32 $0xFFFFFFFF;
	p2 =	slt.u32 s8, $0xFFFFF086  }
0x1c: {  	p1 =	slt.u32 s9, $0xF7A;
	s5 =	simm.s32 @!p2 $0x0  }
0x1d: {  	s5 =	simm.s32 @p1 $0x1;
	p0 =	seq.s32 s7, s2  }
0x1e: {  	s7 =	smul.u32 @!p0 $0xF7A, s2;
	p2 =	seq.s32 @!p0 s5, $0x0  }
0x1f: {  	s9 =	smul.u32 $0xF7A, s1;
	s8 =	simm.s32 @!p0 $0x1BF5;
	p2 =	por !p2, p0  }
0x20: {  	[sflag:s8] =	ssyncset.s32 @!p0 $0xFFFFF086;
	s6 =	sadd.s32 @!p0 s3, s7;
	s7 =	simm.s32 @!p0 $0x108  }
0x21: {  	s3 =	sadd.s32 s3, s9;
	s6 =	sadd.s32 @!p0 $0x88, s6;
	s7 =	simm.s32 @p2 $0x1082  }
0x22: {  	[simem:s7], [sflag:s8] =	dma.local @!p0 [hbm:s6], $0xF7A  }
0x23: {  	s9 =	sor.u32 $0xD0000000, s2;
	s6 =	simm.s32 $0x108;
	_ =	swait.ge @!p0 [sflag:s8], $0x0  }
0x24: {  	s3 =	sadd.s32 $0x88, s3;
	s6 =	simm.s32 @!p1 $0x1082;
	[sflag:s4] =	ssyncset.s32 $0xFFFFF086  }
0x25: {  	[simem:s6], [sflag:s4] =	dma.local [hbm:s3], $0xF7A  }
0x26: {  	[smem:$0x3F99] =	sst s1;
	(tag) =	ssettag s2;
	_ =	strace s9  }
0x27: {  	s1 =	sld [smem:$0x3FA9]  }
0x28: {  	s2 =	sld [smem:$0x3FAA]  }
0x29: {  	s4 =	sld [smem:$0x3FAC]  }
0x2a: {  	p0 =	seq.s32 s5, $0x0;
	s5 =	sld [smem:$0x3FAD]  }
0x2b: {  	s6 =	sld [smem:$0x3FAE]  }
0x2c: {  	s7 =	sld [smem:$0x3FAF]  }
0x2d: {  	s3 =	simm.s32 $0x108;
	s8 =	sld [smem:$0x3FB0]  }
0x2e: {  	s3 =	simm.s32 @!p0 $0x1082;
	s9 =	sld [smem:$0x3FB1]  }
0x2f: {  	lr =	sadd.s32 s0, s3;
	s0 =	sld [smem:$0x3FA8]  }
0x30: {  	s3 =	sld [smem:$0x3FAB]  }
0x31: {  	[smem:$0x3FB4] =	sst s10  }
0x32: {  	s10 =	sld [smem:$0x3FB2];
	_ =	sdelay $0x3  }
0x33: {  	p0 =	seq.s32 s10, $0x1;
	s10 =	sld [smem:$0x3FB4];
	_ =	sdelay $0x3  }
0x34: {  	[smem:$0x3FB4] =	sst s10  }
0x35: {  	s10 =	sld [smem:$0x3FB3];
	_ =	sdelay $0x3  }
0x36: {  	p1 =	seq.s32 s10, $0x1;
	s10 =	sld [smem:$0x3FB4];
	_ =	sdelay $0x3  }
0x37: {  	[smem:$0x3FB4] =	sst s10  }
0x38: {  	s10 =	sld [smem:$0x3FB5]  }
0x39: {  	_ = 	snop;
	(pc) =	sbr.ind lr, $3  }
0x3a: {  	_ = 	snop  }
0x3b: {  	_ = 	snop  }
0x3c: {  	p2 =	seq.s32 s10, $0x1;
	s10 =	sld [smem:$0x3FB4]  }
0x3d: {  	_ =	shalt  }
0x3e: {  	_ =	shalt  }
0x3f: {  	_ =	shalt  }
0x40: {  	_ =	shalt  }
0x41: {  	_ =	shalt  }
0x42: {  	_ =	shalt  }
0x43: {  	_ =	shalt  }
0x44: {  	_ =	shalt  }
0x45: {  	_ =	shalt  }
0x46: {  	_ =	shalt  }
0x47: {  	_ =	shalt  }
0x48: {  	_ =	shalt  }
0x49: {  	_ =	shalt  }
0x4a: {  	_ =	shalt  }
0x4b: {  	_ =	shalt  }
0x4c: {  	_ =	shalt  }
0x4d: {  	_ =	shalt  }
0x4e: {  	_ =	shalt  }
0x4f: {  	_ =	shalt  }
0x50: {  	_ =	shalt  }
0x51: {  	_ =	shalt  }
0x52: {  	_ =	shalt  }
0x53: {  	_ =	shalt  }
0x54: {  	_ =	shalt  }
0x55: {  	_ =	shalt  }
0x56: {  	_ =	shalt  }
0x57: {  	_ =	shalt  }
0x58: {  	_ =	shalt  }
0x59: {  	_ =	shalt  }
0x5a: {  	_ =	shalt  }
0x5b: {  	_ =	shalt  }
0x5c: {  	_ =	shalt  }
0x5d: {  	_ =	shalt  }
0x5e: {  	_ =	shalt  }
0x5f: {  	_ =	shalt  }
0x60: {  	_ =	shalt  }
0x61: {  	_ =	shalt  }
0x62: {  	_ =	shalt  }
0x63: {  	_ =	shalt  }
0x64: {  	_ =	shalt  }
0x65: {  	_ =	shalt  }
0x66: {  	_ =	shalt  }
0x67: {  	_ =	shalt  }
0x68: {  	_ =	shalt  }
0x69: {  	_ =	shalt  }
0x6a: {  	_ =	shalt  }
0x6b: {  	_ =	shalt  }
0x6c: {  	_ =	shalt  }
0x6d: {  	_ =	shalt  }
0x6e: {  	_ =	shalt  }
0x6f: {  	_ =	shalt  }
0x70: {  	_ =	shalt  }
0x71: {  	_ =	shalt  }
0x72: {  	_ =	shalt  }
0x73: {  	_ =	shalt  }
0x74: {  	_ =	shalt  }
0x75: {  	_ =	shalt  }
0x76: {  	_ =	shalt  }
0x77: {  	_ =	shalt  }
0x78: {  	_ =	shalt  }
0x79: {  	_ =	shalt  }
0x7a: {  	_ =	shalt  }
0x7b: {  	_ =	shalt  }
0x7c: {  	_ =	shalt  }
0x7d: {  	_ =	shalt  }
0x7e: {  	_ =	shalt  }
0x7f: {  	_ =	shalt  }
0x80: {  	_ =	shalt  }
0x81: {  	_ =	shalt  }
0x82: {  	_ =	shalt  }
0x83: {  	_ =	shalt  }
0x84: {  	_ =	shalt  }
0x85: {  	_ =	shalt  }
0x86: {  	_ =	shalt  }
0x87: {  	_ =	shalt  }
.Lfunc_end0:
.L_simem_size_0:
called_computation_lowered:
.L_overlay_start_0:
0x88: {  	s2 =	sld [smem:$0x3FD9]  }
0x89: {  	s3 =	sld [smem:$0x3FFE];
	_ =	sdelay $0x1  }
0x8a: {  	s1 =	srdreg.scid  }
0x8b: {  	s0 =	sand.u32 $0x1, s1  }
0x8c: {  	s17 =	sshll.u32 s0, $0xA;
	s2 =	sadd.s32 s3, s2  }
0x8d: {  	s2 =	sadd.s32 s2, s17  }
0x8e: {  	[smem:$0x3FC0] =	sst s2  }
0x8f: {  	_ = 	snop  }
0x90: {  	s2 =	sld [smem:$0x3FD0];
	(tm) =	ssettm $0x1  }
0x91: {  	s18 =	sld [smem:$0x3FFB];
	_ =	sdelay $0x3  }
0x92: {  	_ =	strace s18  }
0x93: {  	s3 =	sld [smem:$0x3FFC];
	_ =	sdelay $0x3  }
0x94: {  	_ =	strace s3  }
0x95: {  	s3 =	sld [smem:$0x3FFD];
	_ =	sdelay $0x3  }
0x96: {  	_ =	strace s3  }
0x97: {  	_ =	strace $0x8FFFFFFF  }
0x98: {  	s19 =	sld [smem:$0x3FDB];
	_ =	sdelay $0x1  }
0x99: {  	s4 =	simm.s32 $_scs_section_size  }
0x9a: {  	s5 =	simm.s32 $_size__tile_overlayer_lowered;
	s6 =	simm.s32 $_tile_overlayer_lowered  }
0x9b: {  	s22 =	simm.s32 $0x1BFF;
	s21 =	sshll.u32 s6, $0x1;
	s3 =	sadd.s32 s4, s19  }
0x9c: {  	s7 =	simm.s32 $0x0;
	s20 =	sshll.u32 s5, $0x1;
	s5 =	sadd.s32 s21, s3  }
0x9d: {  	[timem:s7], [sflag:s22] =	dma.local [hbm:s5], s20  }
0x9e: {  	_ =	swait.ge [sflag:s22], s20  }
0x9f: {  	s4 =	ssub.s32 $0x0, s20;
	[sflag:s22] =	ssyncset.done $0x0  }
0xa0: {  	[sflag:s22] =	ssyncadd.s32 s4;
	_ =	sdelay $0x1  }
0xa1: {  	s23 =	simm.s32 $0x1B8B  }
0xa2: {  	_ =	swait.ge [sflag:s23], $0x1  }
0xa3: {  	[sflag:s23] =	ssyncset.done $0x0  }
0xa4: {  	s25 =	simm.s32 $0x1B8E;
	s24 =	sld [smem:$0x3FFE];
	[sflag:s23] =	ssyncadd.s32 $0xFFFFFFFF  }
0xa5: {  	s26 =	simm.s32 $execute0_lowered;
	[smem:$0x3FD2] =	sst s25  }
0xa6: {  	s5 =	sshll.u32 s26, $0x1;
	_ =	strace $0x80000046;
	[dreg:$0x1] =	wrdreg $0xFFFFFFFF  }
0xa7: {  	s28 =	simm.s32 $_size_execute0_lowered;
	s3 =	sadd.s32 s3, s5;
	[dreg:$0x0] =	wrdreg $0x0  }
0xa8: {  	s5 =	sshll.u32 s28, $0x1;
	[dreg:$0x2] =	wrdreg s3  }
0xa9: {  	[dreg:$0x3] =	wrdreg s5  }
0xaa: {  	[dreg:$0x4] =	wrdreg $0xC0  }
0xab: {  	_ =	task [dreg:s7], $0x5FFFF  }
0xac: {  	[dreg:$0x1] =	wrdreg $0xFFFFFFFF  }
0xad: {  	[dreg:$0x0] =	wrdreg $0x60  }
0xae: {  	[dreg:$0x2] =	wrdreg s24  }
0xaf: {  	[dreg:$0x3] =	wrdreg s2  }
0xb0: {  	[dreg:$0x4] =	wrdreg $0x80000  }
0xb1: {  	[dreg:$0x5] =	wrdreg $0xF8000  }
0xb2: {  	[dreg:$0x6] =	wrdreg $0x9  }
0xb3: {  	_ =	task.clear_ibuf [dreg:s7], $0x7FFFF;
	_ =	strace $0x90000046  }
0xb4: {  	s29 =	simm.s32 $0x9;
	_ =	strace $0x80000048  }
0xb5: {  	_ =	swait.ge [sflag:s29], $0x1  }
0xb6: {  	[sflag:s29] =	ssyncadd.s32 $0xFFFFFFFF  }
0xb7: {  	_ =	strace $0x90000048  }
0xb8: {  	_ =	sfence  }
0xb9: {  	s30 =	sld [smem:$0x0];
	_ =	sdelay $0x2  }
0xba: {  	s31 =	sshll.u32 s1, $0xD;
	s1 =	sshrl.u32 s1, $0x2  }
0xbb: {  	s3 =	sand.u32 $0x4000, s31;
	s1 =	sadd.s32 s1, s30  }
0xbc: {  	s0 =	sor.u32 s3, s0;
	s1 =	sshll.u32 s1, $0x11  }
0xbd: {  	s0 =	sor.u32 s1, s0  }
0xbe: {  	s0 =	sadd.s32 $0x8F2B, s0  }
0xbf: {  	[sflag:s0] =	ssyncadd.remote.s32 $0x1  }
0xc0: {  	_ =	sfence.sel $0xFFFF  }
0xc1: {  	[dreg:$0x0] =	wrdreg $0xFFFFFFFF;
	(pc) =	sbr.abs _section_cstart, $3  }
0xc2: {  	[dreg:$0x1] =	wrdreg $0xFFFFFFFF  }
0xc3: {  	_ =	task.clear_ibuf [dreg:s7], $0x2FFFF;
	_ =	strace $0x9FFFFFFF  }
0xc4: {  	(tm) =	ssettm $0x7FFFFFFF  }
0xc5: {  	_ =	shalt  }
tec
execute0_lowered:
.L_overlay_start_1:
0x0: {  	(tag) =	ssettag $0x1  }
0x1: {  	s6 =	rddreg [dreg:$0x0]  }
0x2: {  	s2 =	rddreg [dreg:$0x1]  }
0x3: {  	s3 =	rddreg [dreg:$0x2]  }
0x4: {  	s4 =	rddreg [dreg:$0x3]  }
0x5: {  	s1 =	stileid.u32;
	s5 =	srdreg.scid  }
0x6: {  	s17 =	simm.s32 $0x10;
	s18 =	simm.s32 $0x2800;
	s19 =	simm.s32 $0x3  }
0x7: {  	s20 =	simm.s32 $0x2;
	s21 =	simm.s32 $0x80;
	s22 =	simm.s32 $0x5000  }
0x8: {  	s23 =	simm.s32 $0x6800;
	s24 =	simm.s32 $0x4;
	s9 =	smul.u32 $0x2710, s1  }
0x9: {  	s28 =	simm.s32 $0x4F80;
	s29 =	simm.s32 $0x0;
	s10 =	smul.u32 $0x14000, s1  }
0xa: {  	s7 =	sand.u32 $0x1, s5;
	s8 =	sshll.u32 s1, $0x1;
	s25 =	smul.u32 $0x1E000, s1  }
0xb: {  	s5 =	simm.s32 $0x0;
	s13 =	smul.u32 $0x1D4C0, s1;
	s8 =	sor.u32 s7, s8  }
0xc: {  	[smem:$0x7FF] =	sst s5;
	s11 =	sshll.u32 s7, $0x6;
	s7 =	ssub.s32 $0x2, s7  }
0xd: {  	s8 =	smul.u32 $0x2800, s8;
	_ =	strace $0x80000047;
	s9 =	sadd.s32 s9, s6  }
0xe: {  	s10 =	sor.u32 s11, s10;
	s12 =	sshrl.u32 s7, $0x1;
	s26 =	sshrl.u32 s25, $0x2  }
0xf: {  	s30 =	sshrl.u32 s13, $0x2;
	s25 =	simm.s32 $0x2780;
	s10 =	sshrl.u32 s10, $0x3  }
0x10: {  	s12 =	ssub.s32 s7, s12;
	s31 =	sadd.s32 s26, s3;
	s16 =	sadd.s32 s30, s4  }
0x11: {  	s26 =	simm.s32 $0x4F00;
	s8 =	sshrl.u32 s8, $0x3;
	s15 =	sadd.s32 s10, s6  }
0x12: {  	s12 =	smax.u32 s12, $0x1;
	s13 =	sshrl.u32 s31, $0x3;
	s14 =	sadd.s32 s8, s6  }
0x13: {  	s6 =	sshll.u32 s1, $0x6;
	s8 =	sadd.s32 $0x14600, s9;
	s11 =	sadd.s32 $0x3B800, s15  }
0x14: {  	s15 =	simm.s32 $0x1;
	s7 =	sor.u32 $0x1C03, s6;
	s9 =	sadd.s32 $0x600, s14  }
0x15: {  	s10 =	sadd.s32 $0xA600, s14;
	s14 =	sshrl.u32 s16, $0x3;
	s16 =	simm.s32 $0x6  }
.LBB2_1:
0x16: {  	[spmem:s13], [sflag:s7] =	dma.local [hbm:s2], $0xF00  }
0x17: {  	[spmem:s14@s16], [sflag:s7] =	dma.strided [hbm:s8@s17], $0xEA6, s15, $0x6   }
0x18: {  	[tilespmem:s5], [sflag:$0x1] =	stream.linear.gather [hbm4b:s9+s5], $0x2800, $0x38;
	[tilespmem:$0x16D30] =	vst v63  }
0x19: {  	_ = 	snop  }
0x1a: {  	[tilespmem:s18], [sflag:$0x2] =	stream.linear.gather [hbm4b:s10+s5], $0x2800, $0x38;
	[tilespmem:$0x16D30] =	vst v63  }
0x1b: {  	_ =	swait.ge [sflag:s19], $0xF00  }
0x1c: {  	[sflag:s19] =	ssyncset.done $0x0  }
0x1d: {  	[sflag:s19] =	ssyncadd.s32 $0xFFFFF100  }
0x1e: {  	_ =	swait.ge [sflag:s19], $0xEA6  }
0x1f: {  	[sflag:s19] =	ssyncset.done $0x0  }
0x20: {  	[sflag:s19] =	ssyncadd.s32 $0xFFFFF15A  }
0x21: {  	_ =	swait.ge [sflag:s15], $0x2800  }
0x22: {  	[sflag:s15] =	ssyncset.done $0x0  }
0x23: {  	[sflag:s15] =	ssyncadd.s32 $0xFFFFD800  }
0x24: {  	_ =	swait.ge [sflag:s20], $0x2800  }
0x25: {  	[sflag:s20] =	ssyncset.done $0x0  }
0x26: {  	[sflag:s20] =	ssyncadd.s32 $0xFFFFD800  }
0x27: {  	[bflag:$0x0] =	sbarrier.arrive $0xFFFF  }
0x28: {  	[tilespmem:s22], [sflag:$0x1] =	stream.indirect.gather [spmem:s4], $0x30, s5, s21, $0xb8;
	[tilespmem:$0x16D30] =	vst v63  }
0x29: {  	_ =	swait.ge [sflag:s15], $0x1800  }
0x2a: {  	[sflag:s15] =	ssyncset.done $0x0  }
0x2b: {  	s30 =	simm.s32 $0x80;
	[sflag:s15] =	ssyncadd.s32 $0xFFFFE800  }
0x2c: {  	[tilespmem:s23], [sflag:$0x2] =	stream.indirect.gather [spmem:s4], $0x30, s30, s21, $0xb8;
	[tilespmem:$0x16D30] =	vst v63  }
0x2d: {  	s30 =	simm.s32 $0x2800  }
0x2e: {  	[spmem:s3] =	stream.indirect.scatter.add.f32 [tilespmem:s22], [sflag:$0x4], $0x30, s30, s21, $0xb8;
	[tilespmem:$0x16D30] =	vst v63  }
0x2f: {  	_ =	swait.ge [sflag:s24], $0x1800  }
0x30: {  	[sflag:s24] =	ssyncset.done $0x0  }
0x31: {  	[sflag:s24] =	ssyncadd.s32 $0xFFFFE800  }
0x32: {  	_ =	swait.ge [sflag:s20], $0x1800  }
0x33: {  	[sflag:s20] =	ssyncset.done $0x0  }
0x34: {  	s30 =	simm.s32 $0x100;
	[sflag:s20] =	ssyncadd.s32 $0xFFFFE800  }
0x35: {  	[tilespmem:s22], [sflag:$0x1] =	stream.indirect.gather [spmem:s4], $0x30, s30, s21, $0xb8;
	[tilespmem:$0x16D30] =	vst v63  }
0x36: {  	s30 =	simm.s32 $0x2880  }
0x37: {  	[spmem:s3] =	stream.indirect.scatter.add.f32 [tilespmem:s23], [sflag:$0x4], $0x30, s30, s21, $0xb8;
	[tilespmem:$0x16D30] =	vst v63  }
0x38: {  	_ =	swait.ge [sflag:s24], $0x1800  }
0x39: {  	s30 =	simm.s32 $0x400;
	[sflag:s24] =	ssyncset.done $0x0  }
.LBB2_2:
0x3a: {  	p0 =	sne.s32 s30, $0x9800  }
0x3b: {  	[sflag:s24] =	ssyncadd.s32 $0xFFFFE800;
	s31 =	smov.u32 s30;
	s30 =	sadd.s32 $0x400, s30  }
0x3c: {  	_ = 	snop  }
0x3d: {  	_ =	swait.ge [sflag:s15], $0x1800  }
0x3e: {  	s31 =	sshra.s32 s31, $0x2;
	[sflag:s15] =	ssyncset.done $0x0  }
0x3f: {  	s0 =	sadd.s32 $0x80, s31;
	[sflag:s15] =	ssyncadd.s32 $0xFFFFE800  }
0x40: {  	[tilespmem:s23], [sflag:$0x2] =	stream.indirect.gather [spmem:s4], $0x30, s0, s21, $0xb8;
	[tilespmem:$0x16D30] =	vst v63  }
0x41: {  	s0 =	sadd.s32 $0x2800, s31  }
0x42: {  	[spmem:s3] =	stream.indirect.scatter.add.f32 [tilespmem:s22], [sflag:$0x4], $0x30, s0, s21, $0xb8;
	[tilespmem:$0x16D30] =	vst v63  }
0x43: {  	_ =	swait.ge [sflag:s24], $0x1800  }
0x44: {  	[sflag:s24] =	ssyncset.done $0x0  }
0x45: {  	[sflag:s24] =	ssyncadd.s32 $0xFFFFE800  }
0x46: {  	_ =	swait.ge [sflag:s20], $0x1800  }
0x47: {  	[sflag:s20] =	ssyncset.done $0x0  }
0x48: {  	s0 =	sadd.s32 $0x100, s31;
	[sflag:s20] =	ssyncadd.s32 $0xFFFFE800  }
0x49: {  	[tilespmem:s22], [sflag:$0x1] =	stream.indirect.gather [spmem:s4], $0x30, s0, s21, $0xb8;
	[tilespmem:$0x16D30] =	vst v63  }
.Ltmp0:
0x4a: {  	_ = 	snop;
	(pc) =	sbr.rel @p0 .LBB2_2-.Ltmp0, $4  }
0x4b: {  	s0 =	sadd.s32 $0x2880, s31  }
0x4c: {  	[spmem:s3] =	stream.indirect.scatter.add.f32 [tilespmem:s23], [sflag:$0x4], $0x30, s0, s21, $0xb8;
	[tilespmem:$0x16D30] =	vst v63  }
0x4d: {  	_ =	swait.ge [sflag:s24], $0x1800  }
0x4e: {  	[sflag:s24] =	ssyncset.done $0x0  }
0x4f: {  	[sflag:s24] =	ssyncadd.s32 $0xFFFFE800  }
0x50: {  	_ =	swait.ge [sflag:s15], $0x1800  }
0x51: {  	[sflag:s15] =	ssyncset.done $0x0  }
0x52: {  	[sflag:s15] =	ssyncadd.s32 $0xFFFFE800  }
0x53: {  	[tilespmem:s23], [sflag:$0x2] =	stream.indirect.gather [spmem:s4], $0x30, s25, s21, $0xb8;
	[tilespmem:$0x16D30] =	vst v63  }
0x54: {  	_ = 	snop  }
0x55: {  	[spmem:s3] =	stream.indirect.scatter.add.f32 [tilespmem:s22], [sflag:$0x4], $0x30, s26, s21, $0xb8;
	[tilespmem:$0x16D30] =	vst v63  }
0x56: {  	_ =	swait.ge [sflag:s24], $0x1800  }
0x57: {  	[sflag:s24] =	ssyncset.done $0x0  }
0x58: {  	[sflag:s24] =	ssyncadd.s32 $0xFFFFE800  }
0x59: {  	_ =	swait.ge [sflag:s20], $0x1800  }
0x5a: {  	[sflag:s20] =	ssyncset.done $0x0  }
0x5b: {  	[sflag:s20] =	ssyncadd.s32 $0xFFFFE800  }
0x5c: {  	[spmem:s3] =	stream.indirect.scatter.add.f32 [tilespmem:s23], [sflag:$0x4], $0x30, s28, s21, $0xb8;
	[tilespmem:$0x16D30] =	vst v63  }
0x5d: {  	_ =	swait.ge [sflag:s24], $0x1800  }
0x5e: {  	s29 =	sadd.s32 $0x1, s29;
	[sflag:s24] =	ssyncset.done $0x0  }
0x5f: {  	p0 =	sne.s32 s29, s12;
	[sflag:s24] =	ssyncadd.s32 $0xFFFFE800  }
.Ltmp1:
0x60: {  	s0 =	sor.u32 $0x1C04, s6;
	[bflag:$0x0] =	sbarrier.arrive $0xFFFF;
	(pc) =	sbr.rel @p0 .LBB2_1-.Ltmp1, $4  }
0x61: {  	[hbm:s11@s17], [sflag:s0] =	dma.strided [spmem:s13@s16], $0xF00, s15, $0x6   }
0x62: {  	_ =	swait.ge [sflag:s24], $0xF00  }
0x63: {  	[sflag:s24] =	ssyncset.done $0x0  }
0x64: {  	[sflag:s24] =	ssyncadd.s32 $0xFFFFF100  }
0x65: {  	_ =	sfence.sel $0x180000  }
0x66: {  	[bflag:$0x0] =	sbarrier.arrive $0xFFFF  }
0x67: {  	_ =	strace $0x90000047  }
0x68: {  	[bflag:$0x2] =	sbarrier.arrive $0xFFFF  }
0x69: {  	p0 =	sne.s32 s1, $0x0;
	s0 =	rddreg [dreg:$0x4]  }
0x6a: {  	s0 =	sadd.s32 @!p0 $0x100000, s0  }
0x6b: {  	[sflag:s0] =	ssyncadd.tile.s32 @!p0 $0x1;
	_ =	shalt  }
.Lfunc_end2:
_tile_overlayer_lowered:
.L_overlay_start_2:
0x6c: {  	(tag) =	ssettag $0x2  }
0x6d: {  	s0 =	rddreg [dreg:$0x0];
	s2 =	stileid.u32  }
0x6e: {  	s1 =	rddreg [dreg:$0x1];
	p0 =	sne.s32 s2, $0x0  }
0x6f: {  	s3 =	rddreg [dreg:$0x2];
	[bflag:$0x3] =	sbarrier.arrive $0xFFFF;
	s2 =	simm.s32 @!p0 $0x1C04  }
0x70: {  	[timem:s3], [sflag:s2] =	dma.local @!p0 [hbm:s0], s1  }
0x71: {  	s0 =	simm.s32 @!p0 $0x4  }
0x72: {  	_ =	swait.ge @!p0 [sflag:s0], s1  }
0x73: {  	s1 =	ssub.s32 @!p0 $0x0, s1;
	[sflag:s0] =	ssyncset.done @!p0 $0x0  }
0x74: {  	[sflag:s0] =	ssyncadd.s32 @!p0 s1  }
0x75: {  	[bflag:$0x3] =	sbarrier.arrive $0xFFFF  }
0x76: {  	_ =	shalt  }

</sc_bundles>
